<compile_context>
chip_gen: v7x
topology: tpu7x:2x2x1
jax: 0.10.2.dev20260603
libtpu: 0.0.44.dev20260713+nightly
codegen_flags: <defaults>
</compile_context>

<pallas_src>
import functools

import jax
import jax.numpy as jnp
from jax import lax
from jax.experimental import pallas as pl
from jax.experimental.pallas import tpu as pltpu
from jax.experimental.pallas import tpu_sc as plsc



def _sc_gather_sum(idx_flat, pos, neg, table, B, L, NEGK, D):
    info = plsc.get_sparse_core_info()
    NC, NS = info.num_cores, info.num_subcores
    NW = NC * NS
    BPT = B // NW
    G = 2
    NG = BPT // G
    CHUNK = 80
    NCH = (G * L) // CHUNK
    NV = D // 16

    mesh = plsc.VectorSubcoreMesh(core_axis_name="c", subcore_axis_name="s")

    @functools.partial(
        pl.kernel,
        mesh=mesh,
        compiler_params=pltpu.CompilerParams(use_tc_tiling_on_sc=False),
        out_type=(
            jax.ShapeDtypeStruct((B, D), jnp.float32),
            jax.ShapeDtypeStruct((B, D), jnp.float32),
            jax.ShapeDtypeStruct((B * NEGK, D), jnp.float32),
        ),
        scratch_types=[
            pltpu.VMEM((G * L,), jnp.int32),
            pltpu.VMEM((G * L, D), jnp.float32),
            pltpu.VMEM((BPT, D), jnp.float32),
            pltpu.VMEM((BPT,), jnp.int32),
            pltpu.VMEM((BPT, D), jnp.float32),
            pltpu.VMEM((BPT * NEGK,), jnp.int32),
            pltpu.VMEM((BPT * NEGK, D), jnp.float32),
            pltpu.SemaphoreType.DMA,
        ],
    )
    def sc_kernel(idx_hbm, pos_hbm, neg_hbm, table_hbm,
                  user_out, pos_out, neg_out,
                  idx_v, rows_v, uout_v, pidx_v, prow_v, nidx_v, nrow_v, sem):
        wid = lax.axis_index("s") * NC + lax.axis_index("c")
        base = wid * BPT

        def group_body(g, carry):
            off = (base + g * G) * L
            pltpu.sync_copy(idx_hbm.at[pl.ds(off, G * L)], idx_v)
            handles = []
            for c in range(NCH):
                handles.append(pltpu.async_copy(
                    table_hbm.at[idx_v.at[pl.ds(c * CHUNK, CHUNK)]],
                    rows_v.at[pl.ds(c * CHUNK, CHUNK), :],
                    sem))
            for h in handles:
                h.wait()
            for b in range(G):
                def row_body(l, acc):
                    return tuple(
                        acc[j] + rows_v[b * L + l, pl.ds(j * 16, 16)]
                        for j in range(NV))
                acc = lax.fori_loop(
                    0, L, row_body,
                    tuple(jnp.zeros((16,), jnp.float32) for _ in range(NV)))
                for j in range(NV):
                    uout_v[g * G + b, pl.ds(j * 16, 16)] = acc[j]
            return carry

        lax.fori_loop(0, NG, group_body, 0)
        pltpu.sync_copy(uout_v, user_out.at[pl.ds(base, BPT)])

        pltpu.sync_copy(pos_hbm.at[pl.ds(base, BPT)], pidx_v)
        pltpu.async_copy(table_hbm.at[pidx_v], prow_v, sem).wait()
        pltpu.sync_copy(prow_v, pos_out.at[pl.ds(base, BPT)])

        nbase = base * NEGK
        pltpu.sync_copy(neg_hbm.at[pl.ds(nbase, BPT * NEGK)], nidx_v)
        handles = []
        for c in range(NEGK):
            handles.append(pltpu.async_copy(
                table_hbm.at[nidx_v.at[pl.ds(c * BPT, BPT)]],
                nrow_v.at[pl.ds(c * BPT, BPT), :],
                sem))
        for h in handles:
            h.wait()
        pltpu.sync_copy(nrow_v, neg_out.at[pl.ds(nbase, BPT * NEGK)])

    return sc_kernel(idx_flat, pos, neg, table)



def _tc_head(user_sum, click_seq, table0, pos_info, neg_flat,
             W1, b1, W2, b2, B, L, NEGK, D):
    H1 = W1.shape[1]
    BLK = 512

    def body(us_ref, ck_ref, t0_ref, pos_ref, neg_ref,
             w1_ref, b1_ref, w2_ref, b2_ref, out_ref):
        z = jnp.sum((ck_ref[...] == 0).astype(jnp.float32), axis=1,
                    keepdims=True)
        um = (us_ref[...] - z * t0_ref[...]) * (1.0 / L)
        h = jnp.maximum(
            jnp.dot(um, w1_ref[...], preferred_element_type=jnp.float32)
            + b1_ref[...], 0.0)
        u = jnp.maximum(
            jnp.dot(h, w2_ref[...], preferred_element_type=jnp.float32)
            + b2_ref[...], 0.0)
        cols = [jnp.sum(u * pos_ref[...], axis=1, keepdims=True)]
        for j in range(NEGK):
            cols.append(jnp.sum(u * neg_ref[:, j * D:(j + 1) * D], axis=1,
                                keepdims=True))
        out_ref[...] = jnp.concatenate(cols, axis=1)

    return pl.pallas_call(
        body,
        grid=(B // BLK,),
        in_specs=[
            pl.BlockSpec((BLK, D), lambda i: (i, 0)),
            pl.BlockSpec((BLK, L), lambda i: (i, 0)),
            pl.BlockSpec((1, D), lambda i: (0, 0)),
            pl.BlockSpec((BLK, D), lambda i: (i, 0)),
            pl.BlockSpec((BLK, NEGK * D), lambda i: (i, 0)),
            pl.BlockSpec((D, H1), lambda i: (0, 0)),
            pl.BlockSpec((1, H1), lambda i: (0, 0)),
            pl.BlockSpec((H1, D), lambda i: (0, 0)),
            pl.BlockSpec((1, D), lambda i: (0, 0)),
        ],
        out_specs=pl.BlockSpec((BLK, 1 + NEGK), lambda i: (i, 0)),
        out_shape=jax.ShapeDtypeStruct((B, 1 + NEGK), jnp.float32),
    )(user_sum, click_seq, table0, pos_info, neg_flat, W1, b1, W2, b2)


def kernel(click_seq, pos_item, neg_item, table, W1, b1, W2, b2):
    B, L = click_seq.shape
    NEGK = neg_item.shape[1]
    D = table.shape[1]

    click_seq = click_seq.astype(jnp.int32)
    idx_flat = click_seq.reshape(-1)
    pos = pos_item.astype(jnp.int32)
    neg = neg_item.astype(jnp.int32).reshape(-1)

    user_sum, pos_info, neg_info = _sc_gather_sum(
        idx_flat, pos, neg, table, B, L, NEGK, D)

    table0 = lax.slice(table, (0, 0), (1, D))
    neg_flat = neg_info.reshape(B, NEGK * D)
    return _tc_head(user_sum, click_seq, table0, pos_info, neg_flat,
                    W1, b1.reshape(1, -1), W2, b2.reshape(1, -1),
                    B, L, NEGK, D)

# --- scband reference (transcript-rebuilt; emitter-appended) ---
"""Pipeline reference for scband-youtube-dnn-29265907155214 (READ-ONLY COPY).

The authoritative reference and input builder live on the scoring server;
editing this copy changes nothing except your own understanding.
"""

import jax, jax.numpy as jnp
import numpy as np

ITEM_NUM = 1000000
EMBED_DIM = 64
HIDDEN = [128, 64]
BATCH = 4096
HIST = 200
NEG = 4


def setup_inputs(seed: int = 0) -> dict:
    key = jax.random.key(seed)
    ks = jax.random.split(key, 8)
    click_seq = jax.random.randint(ks[0], (BATCH, HIST), 0, ITEM_NUM, dtype=jnp.int64 if jax.config.jax_enable_x64 else jnp.int32)
    pos_item = jax.random.randint(ks[1], (BATCH,), 0, ITEM_NUM, dtype=click_seq.dtype)
    neg_item = jax.random.randint(ks[2], (BATCH, NEG), 0, ITEM_NUM, dtype=click_seq.dtype)
    table = jax.random.normal(ks[3], (ITEM_NUM, EMBED_DIM), dtype=jnp.float32) * 0.05
    W1 = jax.random.normal(ks[4], (EMBED_DIM, HIDDEN[0]), dtype=jnp.float32) * (1.0 / np.sqrt(EMBED_DIM))
    b1 = jnp.zeros((HIDDEN[0],), dtype=jnp.float32)
    W2 = jax.random.normal(ks[5], (HIDDEN[0], HIDDEN[1]), dtype=jnp.float32) * (1.0 / np.sqrt(HIDDEN[0]))
    b2 = jnp.zeros((HIDDEN[1],), dtype=jnp.float32)
    return {"click_seq": click_seq, "pos_item": pos_item, "neg_item": neg_item,
            "table": table, "W1": W1, "b1": b1, "W2": W2, "b2": b2}


def reference(click_seq, pos_item, neg_item, table, W1, b1, W2, b2):
    # embedding lookup over click history
    seq_embed = jnp.take(table, click_seq, axis=0)            # [B, L, D]
    mask = (click_seq != 0).astype(jnp.float32)               # [B, L]
    seq_embed = seq_embed * mask[..., None]
    user_info = jnp.mean(seq_embed, axis=1)                   # [B, D]
    # user MLP (relu, no dropout at inference, no batch norm)
    user_info = jax.nn.relu(user_info @ W1 + b1)
    user_info = jax.nn.relu(user_info @ W2 + b2)               # [B, D]
    # use_l2norm = False -> skip normalization
    pos_info = jnp.take(table, pos_item, axis=0)               # [B, D]
    neg_info = jnp.take(table, neg_item, axis=0)               # [B, NEG, D]
    pos_scores = jnp.sum(user_info * pos_info, axis=-1, keepdims=True)   # [B, 1]
    neg_scores = jnp.sum(user_info[:, None, :] * neg_info, axis=-1)      # [B, NEG]
    logits = jnp.concatenate([pos_scores, neg_scores], axis=-1)          # [B, 1+NEG]
    return logits

if __name__ == "__main__":
    import jax
    _d = setup_inputs()
    print(jax.jit(kernel)(*tuple(_d.values())))

</pallas_src>

<mosaic_0001>
#map = affine_map<(d0, d1) -> (0)>
#map1 = affine_map<(d0, d1) -> (0, 0)>
module attributes {stable_mosaic.version = 14 : i64} {
  func.func @sc_kernel(%arg0: i32, %arg1: i32, %arg2: memref<819200xi32, #tpu.memory_space<hbm>>, %arg3: memref<4096xi32, #tpu.memory_space<hbm>>, %arg4: memref<16384xi32, #tpu.memory_space<hbm>>, %arg5: memref<1000000x64xf32, #tpu.memory_space<hbm>>, %arg6: memref<4096x64xf32, #tpu.memory_space<hbm>>, %arg7: memref<4096x64xf32, #tpu.memory_space<hbm>>, %arg8: memref<16384x64xf32, #tpu.memory_space<hbm>>, %arg9: memref<400xi32, #tpu.memory_space<vmem>>, %arg10: memref<400x64xf32, #tpu.memory_space<vmem>>, %arg11: memref<128x64xf32, #tpu.memory_space<vmem>>, %arg12: memref<128xi32, #tpu.memory_space<vmem>>, %arg13: memref<128x64xf32, #tpu.memory_space<vmem>>, %arg14: memref<512xi32, #tpu.memory_space<vmem>>, %arg15: memref<512x64xf32, #tpu.memory_space<vmem>>, %arg16: memref<!tpu.dma_semaphore, #tpu.memory_space<semaphore_mem>>) attributes {dimension_semantics = [#tpu.dimension_semantics<core_parallel>, #tpu.dimension_semantics<subcore_parallel>], iteration_bounds = array<i64: 2, 16>, scalar_prefetch = 0 : i64, scratch_operands = 8 : i64, tpu.core_type = #tpu.core_type<sc_vector_subcore>, window_params = [{transform_indices = #map}, {transform_indices = #map}, {transform_indices = #map}, {transform_indices = #map1}, {transform_indices = #map1}, {transform_indices = #map1}, {transform_indices = #map1}]} {
    %mul3A = arith.constant 2 : i32
    %mul3A_0 = arith.muli %arg1, %mul3A : i32
    %add3A = arith.addi %mul3A_0, %arg0 : i32
    %mul3A_1 = arith.constant 128 : i32
    %mul3A_2 = arith.muli %add3A, %mul3A_1 : i32
    %scan3A = arith.constant 0 : i32
    %scan3A_3 = arith.constant 0 : i32
    %scan3A_4 = arith.constant 64 : i32
    %scan3A_5 = arith.addi %scan3A_3, %scan3A_4 : i32
    %scan3A_6 = arith.constant 1 : i32
    scf.for %scan3A_78 = %scan3A_3 to %scan3A_5 step %scan3A_6  : i32 {
      %mul3A_79 = arith.constant 2 : i32
      %mul3A_80 = arith.muli %scan3A_78, %mul3A_79 : i32
      %add3A_81 = arith.addi %mul3A_2, %mul3A_80 : i32
      %mul3A_82 = arith.constant 200 : i32
      %mul3A_83 = arith.muli %add3A_81, %mul3A_82 : i32
      "tpu.region"() ({
        %run_scoped3A = tpu.sem_alloc : memref<!tpu.dma_semaphore, #tpu.memory_space<semaphore_mem>>
        %dma_start3A_262 = tpu.memref_slice %arg2[%mul3A_83] : memref<819200xi32, #tpu.memory_space<hbm>> -> memref<400xi32, #tpu.memory_space<hbm>>
        %dma_start3A_263 = tpu.memref_slice %arg2[%mul3A_83] : memref<819200xi32, #tpu.memory_space<hbm>> -> memref<400xi32, #tpu.memory_space<hbm>>
        tpu.enqueue_dma source(%dma_start3A_263 : memref<400xi32, #tpu.memory_space<hbm>>) target(%arg9 : memref<400xi32, #tpu.memory_space<vmem>>) target_semaphore(%run_scoped3A : memref<!tpu.dma_semaphore, #tpu.memory_space<semaphore_mem>>)
        %dma_wait3A_264 = tpu.memref_slice %arg2[%mul3A_83] : memref<819200xi32, #tpu.memory_space<hbm>> -> memref<400xi32, #tpu.memory_space<hbm>>
        %dma_wait3A_265 = tpu.memref_slice %arg2[%mul3A_83] : memref<819200xi32, #tpu.memory_space<hbm>> -> memref<400xi32, #tpu.memory_space<hbm>>
        tpu.wait_dma2 semaphore(%run_scoped3A : memref<!tpu.dma_semaphore, #tpu.memory_space<semaphore_mem>>) src(%dma_wait3A_265 : memref<400xi32, #tpu.memory_space<hbm>>) dst(%arg9 : memref<400xi32, #tpu.memory_space<vmem>>)
        tpu.yield
      }) : () -> ()
      %dma_start3A_84 = arith.constant 0 : i32
      %dma_start3A_85 = arith.constant 0 : i32
      %dma_start3A_86 = tpu.memref_slice %arg10[%dma_start3A_84, %dma_start3A_85] : memref<400x64xf32, #tpu.memory_space<vmem>> -> memref<80x64xf32, #tpu.memory_space<vmem>>
      %dma_start3A_87 = arith.constant 0 : i32
      %dma_start3A_88 = tpu.memref_slice %arg9[%dma_start3A_87] : memref<400xi32, #tpu.memory_space<vmem>> -> memref<80xi32, #tpu.memory_space<vmem>>
      %dma_start3A_89 = arith.constant 0 : i32
      %dma_start3A_90 = arith.constant 0 : i32
      %dma_start3A_91 = tpu.memref_slice %arg5[%dma_start3A_89, %dma_start3A_90] : memref<1000000x64xf32, #tpu.memory_space<hbm>> -> memref<1000000x64xf32, #tpu.memory_space<hbm>>
      tpu.enqueue_indirect_dma source(%dma_start3A_91 : memref<1000000x64xf32, #tpu.memory_space<hbm>>) target(%dma_start3A_86 : memref<80x64xf32, #tpu.memory_space<vmem>>) offsets(%dma_start3A_88 : memref<80xi32, #tpu.memory_space<vmem>>) semaphore(%arg16 : memref<!tpu.dma_semaphore, #tpu.memory_space<semaphore_mem>>)
      %dma_start3A_92 = arith.constant 80 : i32
      %dma_start3A_93 = arith.constant 0 : i32
      %dma_start3A_94 = tpu.memref_slice %arg10[%dma_start3A_92, %dma_start3A_93] : memref<400x64xf32, #tpu.memory_space<vmem>> -> memref<80x64xf32, #tpu.memory_space<vmem>>
      %dma_start3A_95 = arith.constant 80 : i32
      %dma_start3A_96 = tpu.memref_slice %arg9[%dma_start3A_95] : memref<400xi32, #tpu.memory_space<vmem>> -> memref<80xi32, #tpu.memory_space<vmem>>
      %dma_start3A_97 = arith.constant 0 : i32
      %dma_start3A_98 = arith.constant 0 : i32
      %dma_start3A_99 = tpu.memref_slice %arg5[%dma_start3A_97, %dma_start3A_98] : memref<1000000x64xf32, #tpu.memory_space<hbm>> -> memref<1000000x64xf32, #tpu.memory_space<hbm>>
      tpu.enqueue_indirect_dma source(%dma_start3A_99 : memref<1000000x64xf32, #tpu.memory_space<hbm>>) target(%dma_start3A_94 : memref<80x64xf32, #tpu.memory_space<vmem>>) offsets(%dma_start3A_96 : memref<80xi32, #tpu.memory_space<vmem>>) semaphore(%arg16 : memref<!tpu.dma_semaphore, #tpu.memory_space<semaphore_mem>>)
      %dma_start3A_100 = arith.constant 160 : i32
      %dma_start3A_101 = arith.constant 0 : i32
      %dma_start3A_102 = tpu.memref_slice %arg10[%dma_start3A_100, %dma_start3A_101] : memref<400x64xf32, #tpu.memory_space<vmem>> -> memref<80x64xf32, #tpu.memory_space<vmem>>
      %dma_start3A_103 = arith.constant 160 : i32
      %dma_start3A_104 = tpu.memref_slice %arg9[%dma_start3A_103] : memref<400xi32, #tpu.memory_space<vmem>> -> memref<80xi32, #tpu.memory_space<vmem>>
      %dma_start3A_105 = arith.constant 0 : i32
      %dma_start3A_106 = arith.constant 0 : i32
      %dma_start3A_107 = tpu.memref_slice %arg5[%dma_start3A_105, %dma_start3A_106] : memref<1000000x64xf32, #tpu.memory_space<hbm>> -> memref<1000000x64xf32, #tpu.memory_space<hbm>>
      tpu.enqueue_indirect_dma source(%dma_start3A_107 : memref<1000000x64xf32, #tpu.memory_space<hbm>>) target(%dma_start3A_102 : memref<80x64xf32, #tpu.memory_space<vmem>>) offsets(%dma_start3A_104 : memref<80xi32, #tpu.memory_space<vmem>>) semaphore(%arg16 : memref<!tpu.dma_semaphore, #tpu.memory_space<semaphore_mem>>)
      %dma_start3A_108 = arith.constant 240 : i32
      %dma_start3A_109 = arith.constant 0 : i32
      %dma_start3A_110 = tpu.memref_slice %arg10[%dma_start3A_108, %dma_start3A_109] : memref<400x64xf32, #tpu.memory_space<vmem>> -> memref<80x64xf32, #tpu.memory_space<vmem>>
      %dma_start3A_111 = arith.constant 240 : i32
      %dma_start3A_112 = tpu.memref_slice %arg9[%dma_start3A_111] : memref<400xi32, #tpu.memory_space<vmem>> -> memref<80xi32, #tpu.memory_space<vmem>>
      %dma_start3A_113 = arith.constant 0 : i32
      %dma_start3A_114 = arith.constant 0 : i32
      %dma_start3A_115 = tpu.memref_slice %arg5[%dma_start3A_113, %dma_start3A_114] : memref<1000000x64xf32, #tpu.memory_space<hbm>> -> memref<1000000x64xf32, #tpu.memory_space<hbm>>
      tpu.enqueue_indirect_dma source(%dma_start3A_115 : memref<1000000x64xf32, #tpu.memory_space<hbm>>) target(%dma_start3A_110 : memref<80x64xf32, #tpu.memory_space<vmem>>) offsets(%dma_start3A_112 : memref<80xi32, #tpu.memory_space<vmem>>) semaphore(%arg16 : memref<!tpu.dma_semaphore, #tpu.memory_space<semaphore_mem>>)
      %dma_start3A_116 = arith.constant 320 : i32
      %dma_start3A_117 = arith.constant 0 : i32
      %dma_start3A_118 = tpu.memref_slice %arg10[%dma_start3A_116, %dma_start3A_117] : memref<400x64xf32, #tpu.memory_space<vmem>> -> memref<80x64xf32, #tpu.memory_space<vmem>>
      %dma_start3A_119 = arith.constant 320 : i32
      %dma_start3A_120 = tpu.memref_slice %arg9[%dma_start3A_119] : memref<400xi32, #tpu.memory_space<vmem>> -> memref<80xi32, #tpu.memory_space<vmem>>
      %dma_start3A_121 = arith.constant 0 : i32
      %dma_start3A_122 = arith.constant 0 : i32
      %dma_start3A_123 = tpu.memref_slice %arg5[%dma_start3A_121, %dma_start3A_122] : memref<1000000x64xf32, #tpu.memory_space<hbm>> -> memref<1000000x64xf32, #tpu.memory_space<hbm>>
      tpu.enqueue_indirect_dma source(%dma_start3A_123 : memref<1000000x64xf32, #tpu.memory_space<hbm>>) target(%dma_start3A_118 : memref<80x64xf32, #tpu.memory_space<vmem>>) offsets(%dma_start3A_120 : memref<80xi32, #tpu.memory_space<vmem>>) semaphore(%arg16 : memref<!tpu.dma_semaphore, #tpu.memory_space<semaphore_mem>>)
      %dma_wait3A_124 = arith.constant 0 : i32
      %dma_wait3A_125 = arith.constant 0 : i32
      %dma_wait3A_126 = tpu.memref_slice %arg10[%dma_wait3A_124, %dma_wait3A_125] : memref<400x64xf32, #tpu.memory_space<vmem>> -> memref<80x64xf32, #tpu.memory_space<vmem>>
      %dma_wait3A_127 = arith.constant 0 : i32
      %dma_wait3A_128 = tpu.memref_slice %arg9[%dma_wait3A_127] : memref<400xi32, #tpu.memory_space<vmem>> -> memref<80xi32, #tpu.memory_space<vmem>>
      %dma_wait3A_129 = arith.constant 0 : i32
      %dma_wait3A_130 = arith.constant 0 : i32
      %dma_wait3A_131 = tpu.memref_slice %arg5[%dma_wait3A_129, %dma_wait3A_130] : memref<1000000x64xf32, #tpu.memory_space<hbm>> -> memref<1000000x64xf32, #tpu.memory_space<hbm>>
      tpu.wait_indirect_dma semaphore(%arg16 : memref<!tpu.dma_semaphore, #tpu.memory_space<semaphore_mem>>) src(%dma_wait3A_131 : memref<1000000x64xf32, #tpu.memory_space<hbm>>) dst(%dma_wait3A_126 : memref<80x64xf32, #tpu.memory_space<vmem>>)
      %dma_wait3A_132 = arith.constant 80 : i32
      %dma_wait3A_133 = arith.constant 0 : i32
      %dma_wait3A_134 = tpu.memref_slice %arg10[%dma_wait3A_132, %dma_wait3A_133] : memref<400x64xf32, #tpu.memory_space<vmem>> -> memref<80x64xf32, #tpu.memory_space<vmem>>
      %dma_wait3A_135 = arith.constant 80 : i32
      %dma_wait3A_136 = tpu.memref_slice %arg9[%dma_wait3A_135] : memref<400xi32, #tpu.memory_space<vmem>> -> memref<80xi32, #tpu.memory_space<vmem>>
      %dma_wait3A_137 = arith.constant 0 : i32
      %dma_wait3A_138 = arith.constant 0 : i32
      %dma_wait3A_139 = tpu.memref_slice %arg5[%dma_wait3A_137, %dma_wait3A_138] : memref<1000000x64xf32, #tpu.memory_space<hbm>> -> memref<1000000x64xf32, #tpu.memory_space<hbm>>
      tpu.wait_indirect_dma semaphore(%arg16 : memref<!tpu.dma_semaphore, #tpu.memory_space<semaphore_mem>>) src(%dma_wait3A_139 : memref<1000000x64xf32, #tpu.memory_space<hbm>>) dst(%dma_wait3A_134 : memref<80x64xf32, #tpu.memory_space<vmem>>)
      %dma_wait3A_140 = arith.constant 160 : i32
      %dma_wait3A_141 = arith.constant 0 : i32
      %dma_wait3A_142 = tpu.memref_slice %arg10[%dma_wait3A_140, %dma_wait3A_141] : memref<400x64xf32, #tpu.memory_space<vmem>> -> memref<80x64xf32, #tpu.memory_space<vmem>>
      %dma_wait3A_143 = arith.constant 160 : i32
      %dma_wait3A_144 = tpu.memref_slice %arg9[%dma_wait3A_143] : memref<400xi32, #tpu.memory_space<vmem>> -> memref<80xi32, #tpu.memory_space<vmem>>
      %dma_wait3A_145 = arith.constant 0 : i32
      %dma_wait3A_146 = arith.constant 0 : i32
      %dma_wait3A_147 = tpu.memref_slice %arg5[%dma_wait3A_145, %dma_wait3A_146] : memref<1000000x64xf32, #tpu.memory_space<hbm>> -> memref<1000000x64xf32, #tpu.memory_space<hbm>>
      tpu.wait_indirect_dma semaphore(%arg16 : memref<!tpu.dma_semaphore, #tpu.memory_space<semaphore_mem>>) src(%dma_wait3A_147 : memref<1000000x64xf32, #tpu.memory_space<hbm>>) dst(%dma_wait3A_142 : memref<80x64xf32, #tpu.memory_space<vmem>>)
      %dma_wait3A_148 = arith.constant 240 : i32
      %dma_wait3A_149 = arith.constant 0 : i32
      %dma_wait3A_150 = tpu.memref_slice %arg10[%dma_wait3A_148, %dma_wait3A_149] : memref<400x64xf32, #tpu.memory_space<vmem>> -> memref<80x64xf32, #tpu.memory_space<vmem>>
      %dma_wait3A_151 = arith.constant 240 : i32
      %dma_wait3A_152 = tpu.memref_slice %arg9[%dma_wait3A_151] : memref<400xi32, #tpu.memory_space<vmem>> -> memref<80xi32, #tpu.memory_space<vmem>>
      %dma_wait3A_153 = arith.constant 0 : i32
      %dma_wait3A_154 = arith.constant 0 : i32
      %dma_wait3A_155 = tpu.memref_slice %arg5[%dma_wait3A_153, %dma_wait3A_154] : memref<1000000x64xf32, #tpu.memory_space<hbm>> -> memref<1000000x64xf32, #tpu.memory_space<hbm>>
      tpu.wait_indirect_dma semaphore(%arg16 : memref<!tpu.dma_semaphore, #tpu.memory_space<semaphore_mem>>) src(%dma_wait3A_155 : memref<1000000x64xf32, #tpu.memory_space<hbm>>) dst(%dma_wait3A_150 : memref<80x64xf32, #tpu.memory_space<vmem>>)
      %dma_wait3A_156 = arith.constant 320 : i32
      %dma_wait3A_157 = arith.constant 0 : i32
      %dma_wait3A_158 = tpu.memref_slice %arg10[%dma_wait3A_156, %dma_wait3A_157] : memref<400x64xf32, #tpu.memory_space<vmem>> -> memref<80x64xf32, #tpu.memory_space<vmem>>
      %dma_wait3A_159 = arith.constant 320 : i32
      %dma_wait3A_160 = tpu.memref_slice %arg9[%dma_wait3A_159] : memref<400xi32, #tpu.memory_space<vmem>> -> memref<80xi32, #tpu.memory_space<vmem>>
      %dma_wait3A_161 = arith.constant 0 : i32
      %dma_wait3A_162 = arith.constant 0 : i32
      %dma_wait3A_163 = tpu.memref_slice %arg5[%dma_wait3A_161, %dma_wait3A_162] : memref<1000000x64xf32, #tpu.memory_space<hbm>> -> memref<1000000x64xf32, #tpu.memory_space<hbm>>
      tpu.wait_indirect_dma semaphore(%arg16 : memref<!tpu.dma_semaphore, #tpu.memory_space<semaphore_mem>>) src(%dma_wait3A_163 : memref<1000000x64xf32, #tpu.memory_space<hbm>>) dst(%dma_wait3A_158 : memref<80x64xf32, #tpu.memory_space<vmem>>)
      %broadcast_in_dim3A = arith.constant 0.000000e+00 : f32
      %broadcast_in_dim3A_164 = vector.broadcast %broadcast_in_dim3A : f32 to vector<16xf32>
      %broadcast_in_dim3A_165 = arith.constant 0.000000e+00 : f32
      %broadcast_in_dim3A_166 = vector.broadcast %broadcast_in_dim3A_165 : f32 to vector<16xf32>
      %broadcast_in_dim3A_167 = arith.constant 0.000000e+00 : f32
      %broadcast_in_dim3A_168 = vector.broadcast %broadcast_in_dim3A_167 : f32 to vector<16xf32>
      %broadcast_in_dim3A_169 = arith.constant 0.000000e+00 : f32
      %broadcast_in_dim3A_170 = vector.broadcast %broadcast_in_dim3A_169 : f32 to vector<16xf32>
      %scan3A_171 = arith.constant 0 : i32
      %scan3A_172 = arith.constant 200 : i32
      %scan3A_173 = arith.addi %scan3A_171, %scan3A_172 : i32
      %scan3A_174 = arith.constant 1 : i32
      %scan3A_175:4 = scf.for %scan3A_262 = %scan3A_171 to %scan3A_173 step %scan3A_174 iter_args(%scan3A_263 = %broadcast_in_dim3A_164, %scan3A_264 = %broadcast_in_dim3A_166, %scan3A_265 = %broadcast_in_dim3A_168, %scan3A_266 = %broadcast_in_dim3A_170) -> (vector<16xf32>, vector<16xf32>, vector<16xf32>, vector<16xf32>)  : i32 {
        %add3A_267 = arith.constant 0 : i32
        %add3A_268 = arith.addi %add3A_267, %scan3A_262 : i32
        %get3A = arith.index_cast %add3A_268 : i32 to index
        %get3A_269 = arith.constant 0 : index
        %get3A_270 = tpu.vector_load %arg10[%get3A, %get3A_269] {strides = array<i32>} : memref<400x64xf32, #tpu.memory_space<vmem>>, vector<1x16xf32>,
        %get3A_271 = vector.shape_cast %get3A_270 : vector<1x16xf32> to vector<16xf32>
        %add3A_272 = arith.addf %scan3A_263, %get3A_271 : vector<16xf32>
        %add3A_273 = arith.constant 0 : i32
        %add3A_274 = arith.addi %add3A_273, %scan3A_262 : i32
        %get3A_275 = arith.index_cast %add3A_274 : i32 to index
        %get3A_276 = arith.constant 16 : index
        %get3A_277 = tpu.vector_load %arg10[%get3A_275, %get3A_276] {strides = array<i32>} : memref<400x64xf32, #tpu.memory_space<vmem>>, vector<1x16xf32>,
        %get3A_278 = vector.shape_cast %get3A_277 : vector<1x16xf32> to vector<16xf32>
        %add3A_279 = arith.addf %scan3A_264, %get3A_278 : vector<16xf32>
        %add3A_280 = arith.constant 0 : i32
        %add3A_281 = arith.addi %add3A_280, %scan3A_262 : i32
        %get3A_282 = arith.index_cast %add3A_281 : i32 to index
        %get3A_283 = arith.constant 32 : index
        %get3A_284 = tpu.vector_load %arg10[%get3A_282, %get3A_283] {strides = array<i32>} : memref<400x64xf32, #tpu.memory_space<vmem>>, vector<1x16xf32>,
        %get3A_285 = vector.shape_cast %get3A_284 : vector<1x16xf32> to vector<16xf32>
        %add3A_286 = arith.addf %scan3A_265, %get3A_285 : vector<16xf32>
        %add3A_287 = arith.constant 0 : i32
        %add3A_288 = arith.addi %add3A_287, %scan3A_262 : i32
        %get3A_289 = arith.index_cast %add3A_288 : i32 to index
        %get3A_290 = arith.constant 48 : index
        %get3A_291 = tpu.vector_load %arg10[%get3A_289, %get3A_290] {strides = array<i32>} : memref<400x64xf32, #tpu.memory_space<vmem>>, vector<1x16xf32>,
        %get3A_292 = vector.shape_cast %get3A_291 : vector<1x16xf32> to vector<16xf32>
        %add3A_293 = arith.addf %scan3A_266, %get3A_292 : vector<16xf32>
        scf.yield %add3A_272, %add3A_279, %add3A_286, %add3A_293 : vector<16xf32>, vector<16xf32>, vector<16xf32>, vector<16xf32>
      }
      %scan3A_176 = arith.constant 200 : i32
      %mul3A_177 = arith.constant 2 : i32
      %mul3A_178 = arith.muli %scan3A_78, %mul3A_177 : i32
      %add3A_179 = arith.constant 0 : i32
      %add3A_180 = arith.addi %mul3A_178, %add3A_179 : i32
      %swap3A = arith.index_cast %add3A_180 : i32 to index
      %swap3A_181 = arith.constant 0 : index
      %swap3A_182 = tpu.vector_load %arg11[%swap3A, %swap3A_181] {strides = array<i32>} : memref<128x64xf32, #tpu.memory_space<vmem>>, vector<1x16xf32>,
      %swap3A_183 = vector.shape_cast %swap3A_182 : vector<1x16xf32> to vector<16xf32>
      %swap3A_184 = vector.shape_cast %scan3A_175#0 : vector<16xf32> to vector<1x16xf32>
      tpu.vector_store %arg11[%swap3A, %swap3A_181], %swap3A_184 {strides = array<i32>} : memref<128x64xf32, #tpu.memory_space<vmem>>, vector<1x16xf32>,
      %mul3A_185 = arith.constant 2 : i32
      %mul3A_186 = arith.muli %scan3A_78, %mul3A_185 : i32
      %add3A_187 = arith.constant 0 : i32
      %add3A_188 = arith.addi %mul3A_186, %add3A_187 : i32
      %swap3A_189 = arith.index_cast %add3A_188 : i32 to index
      %swap3A_190 = arith.constant 16 : index
      %swap3A_191 = tpu.vector_load %arg11[%swap3A_189, %swap3A_190] {strides = array<i32>} : memref<128x64xf32, #tpu.memory_space<vmem>>, vector<1x16xf32>,
      %swap3A_192 = vector.shape_cast %swap3A_191 : vector<1x16xf32> to vector<16xf32>
      %swap3A_193 = vector.shape_cast %scan3A_175#1 : vector<16xf32> to vector<1x16xf32>
      tpu.vector_store %arg11[%swap3A_189, %swap3A_190], %swap3A_193 {strides = array<i32>} : memref<128x64xf32, #tpu.memory_space<vmem>>, vector<1x16xf32>,
      %mul3A_194 = arith.constant 2 : i32
      %mul3A_195 = arith.muli %scan3A_78, %mul3A_194 : i32
      %add3A_196 = arith.constant 0 : i32
      %add3A_197 = arith.addi %mul3A_195, %add3A_196 : i32
      %swap3A_198 = arith.index_cast %add3A_197 : i32 to index
      %swap3A_199 = arith.constant 32 : index
      %swap3A_200 = tpu.vector_load %arg11[%swap3A_198, %swap3A_199] {strides = array<i32>} : memref<128x64xf32, #tpu.memory_space<vmem>>, vector<1x16xf32>,
      %swap3A_201 = vector.shape_cast %swap3A_200 : vector<1x16xf32> to vector<16xf32>
      %swap3A_202 = vector.shape_cast %scan3A_175#2 : vector<16xf32> to vector<1x16xf32>
      tpu.vector_store %arg11[%swap3A_198, %swap3A_199], %swap3A_202 {strides = array<i32>} : memref<128x64xf32, #tpu.memory_space<vmem>>, vector<1x16xf32>,
      %mul3A_203 = arith.constant 2 : i32
      %mul3A_204 = arith.muli %scan3A_78, %mul3A_203 : i32
      %add3A_205 = arith.constant 0 : i32
      %add3A_206 = arith.addi %mul3A_204, %add3A_205 : i32
      %swap3A_207 = arith.index_cast %add3A_206 : i32 to index
      %swap3A_208 = arith.constant 48 : index
      %swap3A_209 = tpu.vector_load %arg11[%swap3A_207, %swap3A_208] {strides = array<i32>} : memref<128x64xf32, #tpu.memory_space<vmem>>, vector<1x16xf32>,
      %swap3A_210 = vector.shape_cast %swap3A_209 : vector<1x16xf32> to vector<16xf32>
      %swap3A_211 = vector.shape_cast %scan3A_175#3 : vector<16xf32> to vector<1x16xf32>
      tpu.vector_store %arg11[%swap3A_207, %swap3A_208], %swap3A_211 {strides = array<i32>} : memref<128x64xf32, #tpu.memory_space<vmem>>, vector<1x16xf32>,
      %broadcast_in_dim3A_212 = arith.constant 0.000000e+00 : f32
      %broadcast_in_dim3A_213 = vector.broadcast %broadcast_in_dim3A_212 : f32 to vector<16xf32>
      %broadcast_in_dim3A_214 = arith.constant 0.000000e+00 : f32
      %broadcast_in_dim3A_215 = vector.broadcast %broadcast_in_dim3A_214 : f32 to vector<16xf32>
      %broadcast_in_dim3A_216 = arith.constant 0.000000e+00 : f32
      %broadcast_in_dim3A_217 = vector.broadcast %broadcast_in_dim3A_216 : f32 to vector<16xf32>
      %broadcast_in_dim3A_218 = arith.constant 0.000000e+00 : f32
      %broadcast_in_dim3A_219 = vector.broadcast %broadcast_in_dim3A_218 : f32 to vector<16xf32>
      %scan3A_220 = arith.constant 0 : i32
      %scan3A_221 = arith.constant 200 : i32
      %scan3A_222 = arith.addi %scan3A_220, %scan3A_221 : i32
      %scan3A_223 = arith.constant 1 : i32
      %scan3A_224:4 = scf.for %scan3A_262 = %scan3A_220 to %scan3A_222 step %scan3A_223 iter_args(%scan3A_263 = %broadcast_in_dim3A_213, %scan3A_264 = %broadcast_in_dim3A_215, %scan3A_265 = %broadcast_in_dim3A_217, %scan3A_266 = %broadcast_in_dim3A_219) -> (vector<16xf32>, vector<16xf32>, vector<16xf32>, vector<16xf32>)  : i32 {
        %add3A_267 = arith.constant 200 : i32
        %add3A_268 = arith.addi %add3A_267, %scan3A_262 : i32
        %get3A = arith.index_cast %add3A_268 : i32 to index
        %get3A_269 = arith.constant 0 : index
        %get3A_270 = tpu.vector_load %arg10[%get3A, %get3A_269] {strides = array<i32>} : memref<400x64xf32, #tpu.memory_space<vmem>>, vector<1x16xf32>,
        %get3A_271 = vector.shape_cast %get3A_270 : vector<1x16xf32> to vector<16xf32>
        %add3A_272 = arith.addf %scan3A_263, %get3A_271 : vector<16xf32>
        %add3A_273 = arith.constant 200 : i32
        %add3A_274 = arith.addi %add3A_273, %scan3A_262 : i32
        %get3A_275 = arith.index_cast %add3A_274 : i32 to index
        %get3A_276 = arith.constant 16 : index
        %get3A_277 = tpu.vector_load %arg10[%get3A_275, %get3A_276] {strides = array<i32>} : memref<400x64xf32, #tpu.memory_space<vmem>>, vector<1x16xf32>,
        %get3A_278 = vector.shape_cast %get3A_277 : vector<1x16xf32> to vector<16xf32>
        %add3A_279 = arith.addf %scan3A_264, %get3A_278 : vector<16xf32>
        %add3A_280 = arith.constant 200 : i32
        %add3A_281 = arith.addi %add3A_280, %scan3A_262 : i32
        %get3A_282 = arith.index_cast %add3A_281 : i32 to index
        %get3A_283 = arith.constant 32 : index
        %get3A_284 = tpu.vector_load %arg10[%get3A_282, %get3A_283] {strides = array<i32>} : memref<400x64xf32, #tpu.memory_space<vmem>>, vector<1x16xf32>,
        %get3A_285 = vector.shape_cast %get3A_284 : vector<1x16xf32> to vector<16xf32>
        %add3A_286 = arith.addf %scan3A_265, %get3A_285 : vector<16xf32>
        %add3A_287 = arith.constant 200 : i32
        %add3A_288 = arith.addi %add3A_287, %scan3A_262 : i32
        %get3A_289 = arith.index_cast %add3A_288 : i32 to index
        %get3A_290 = arith.constant 48 : index
        %get3A_291 = tpu.vector_load %arg10[%get3A_289, %get3A_290] {strides = array<i32>} : memref<400x64xf32, #tpu.memory_space<vmem>>, vector<1x16xf32>,
        %get3A_292 = vector.shape_cast %get3A_291 : vector<1x16xf32> to vector<16xf32>
        %add3A_293 = arith.addf %scan3A_266, %get3A_292 : vector<16xf32>
        scf.yield %add3A_272, %add3A_279, %add3A_286, %add3A_293 : vector<16xf32>, vector<16xf32>, vector<16xf32>, vector<16xf32>
      }
      %scan3A_225 = arith.constant 200 : i32
      %mul3A_226 = arith.constant 2 : i32
      %mul3A_227 = arith.muli %scan3A_78, %mul3A_226 : i32
      %add3A_228 = arith.constant 1 : i32
      %add3A_229 = arith.addi %mul3A_227, %add3A_228 : i32
      %swap3A_230 = arith.index_cast %add3A_229 : i32 to index
      %swap3A_231 = arith.constant 0 : index
      %swap3A_232 = tpu.vector_load %arg11[%swap3A_230, %swap3A_231] {strides = array<i32>} : memref<128x64xf32, #tpu.memory_space<vmem>>, vector<1x16xf32>,
      %swap3A_233 = vector.shape_cast %swap3A_232 : vector<1x16xf32> to vector<16xf32>
      %swap3A_234 = vector.shape_cast %scan3A_224#0 : vector<16xf32> to vector<1x16xf32>
      tpu.vector_store %arg11[%swap3A_230, %swap3A_231], %swap3A_234 {strides = array<i32>} : memref<128x64xf32, #tpu.memory_space<vmem>>, vector<1x16xf32>,
      %mul3A_235 = arith.constant 2 : i32
      %mul3A_236 = arith.muli %scan3A_78, %mul3A_235 : i32
      %add3A_237 = arith.constant 1 : i32
      %add3A_238 = arith.addi %mul3A_236, %add3A_237 : i32
      %swap3A_239 = arith.index_cast %add3A_238 : i32 to index
      %swap3A_240 = arith.constant 16 : index
      %swap3A_241 = tpu.vector_load %arg11[%swap3A_239, %swap3A_240] {strides = array<i32>} : memref<128x64xf32, #tpu.memory_space<vmem>>, vector<1x16xf32>,
      %swap3A_242 = vector.shape_cast %swap3A_241 : vector<1x16xf32> to vector<16xf32>
      %swap3A_243 = vector.shape_cast %scan3A_224#1 : vector<16xf32> to vector<1x16xf32>
      tpu.vector_store %arg11[%swap3A_239, %swap3A_240], %swap3A_243 {strides = array<i32>} : memref<128x64xf32, #tpu.memory_space<vmem>>, vector<1x16xf32>,
      %mul3A_244 = arith.constant 2 : i32
      %mul3A_245 = arith.muli %scan3A_78, %mul3A_244 : i32
      %add3A_246 = arith.constant 1 : i32
      %add3A_247 = arith.addi %mul3A_245, %add3A_246 : i32
      %swap3A_248 = arith.index_cast %add3A_247 : i32 to index
      %swap3A_249 = arith.constant 32 : index
      %swap3A_250 = tpu.vector_load %arg11[%swap3A_248, %swap3A_249] {strides = array<i32>} : memref<128x64xf32, #tpu.memory_space<vmem>>, vector<1x16xf32>,
      %swap3A_251 = vector.shape_cast %swap3A_250 : vector<1x16xf32> to vector<16xf32>
      %swap3A_252 = vector.shape_cast %scan3A_224#2 : vector<16xf32> to vector<1x16xf32>
      tpu.vector_store %arg11[%swap3A_248, %swap3A_249], %swap3A_252 {strides = array<i32>} : memref<128x64xf32, #tpu.memory_space<vmem>>, vector<1x16xf32>,
      %mul3A_253 = arith.constant 2 : i32
      %mul3A_254 = arith.muli %scan3A_78, %mul3A_253 : i32
      %add3A_255 = arith.constant 1 : i32
      %add3A_256 = arith.addi %mul3A_254, %add3A_255 : i32
      %swap3A_257 = arith.index_cast %add3A_256 : i32 to index
      %swap3A_258 = arith.constant 48 : index
      %swap3A_259 = tpu.vector_load %arg11[%swap3A_257, %swap3A_258] {strides = array<i32>} : memref<128x64xf32, #tpu.memory_space<vmem>>, vector<1x16xf32>,
      %swap3A_260 = vector.shape_cast %swap3A_259 : vector<1x16xf32> to vector<16xf32>
      %swap3A_261 = vector.shape_cast %scan3A_224#3 : vector<16xf32> to vector<1x16xf32>
      tpu.vector_store %arg11[%swap3A_257, %swap3A_258], %swap3A_261 {strides = array<i32>} : memref<128x64xf32, #tpu.memory_space<vmem>>, vector<1x16xf32>,
    }
    %scan3A_7 = arith.constant 64 : i32
    "tpu.region"() ({
      %run_scoped3A = tpu.sem_alloc : memref<!tpu.dma_semaphore, #tpu.memory_space<semaphore_mem>>
      %dma_start3A_78 = arith.constant 0 : i32
      %dma_start3A_79 = tpu.memref_slice %arg6[%mul3A_2, %dma_start3A_78] : memref<4096x64xf32, #tpu.memory_space<hbm>> -> memref<128x64xf32, #tpu.memory_space<hbm>>
      %dma_start3A_80 = arith.constant 0 : i32
      %dma_start3A_81 = tpu.memref_slice %arg6[%mul3A_2, %dma_start3A_80] : memref<4096x64xf32, #tpu.memory_space<hbm>> -> memref<128x64xf32, #tpu.memory_space<hbm>>
      tpu.enqueue_dma source(%arg11 : memref<128x64xf32, #tpu.memory_space<vmem>>) target(%dma_start3A_81 : memref<128x64xf32, #tpu.memory_space<hbm>>) target_semaphore(%run_scoped3A : memref<!tpu.dma_semaphore, #tpu.memory_space<semaphore_mem>>)
      %dma_wait3A_82 = arith.constant 0 : i32
      %dma_wait3A_83 = tpu.memref_slice %arg6[%mul3A_2, %dma_wait3A_82] : memref<4096x64xf32, #tpu.memory_space<hbm>> -> memref<128x64xf32, #tpu.memory_space<hbm>>
      %dma_wait3A_84 = arith.constant 0 : i32
      %dma_wait3A_85 = tpu.memref_slice %arg6[%mul3A_2, %dma_wait3A_84] : memref<4096x64xf32, #tpu.memory_space<hbm>> -> memref<128x64xf32, #tpu.memory_space<hbm>>
      tpu.wait_dma2 semaphore(%run_scoped3A : memref<!tpu.dma_semaphore, #tpu.memory_space<semaphore_mem>>) src(%arg11 : memref<128x64xf32, #tpu.memory_space<vmem>>) dst(%dma_wait3A_85 : memref<128x64xf32, #tpu.memory_space<hbm>>)
      tpu.yield
    }) : () -> ()
    "tpu.region"() ({
      %run_scoped3A = tpu.sem_alloc : memref<!tpu.dma_semaphore, #tpu.memory_space<semaphore_mem>>
      %dma_start3A_78 = tpu.memref_slice %arg3[%mul3A_2] : memref<4096xi32, #tpu.memory_space<hbm>> -> memref<128xi32, #tpu.memory_space<hbm>>
      %dma_start3A_79 = tpu.memref_slice %arg3[%mul3A_2] : memref<4096xi32, #tpu.memory_space<hbm>> -> memref<128xi32, #tpu.memory_space<hbm>>
      tpu.enqueue_dma source(%dma_start3A_79 : memref<128xi32, #tpu.memory_space<hbm>>) target(%arg12 : memref<128xi32, #tpu.memory_space<vmem>>) target_semaphore(%run_scoped3A : memref<!tpu.dma_semaphore, #tpu.memory_space<semaphore_mem>>)
      %dma_wait3A_80 = tpu.memref_slice %arg3[%mul3A_2] : memref<4096xi32, #tpu.memory_space<hbm>> -> memref<128xi32, #tpu.memory_space<hbm>>
      %dma_wait3A_81 = tpu.memref_slice %arg3[%mul3A_2] : memref<4096xi32, #tpu.memory_space<hbm>> -> memref<128xi32, #tpu.memory_space<hbm>>
      tpu.wait_dma2 semaphore(%run_scoped3A : memref<!tpu.dma_semaphore, #tpu.memory_space<semaphore_mem>>) src(%dma_wait3A_81 : memref<128xi32, #tpu.memory_space<hbm>>) dst(%arg12 : memref<128xi32, #tpu.memory_space<vmem>>)
      tpu.yield
    }) : () -> ()
    %dma_start3A = arith.constant 0 : i32
    %dma_start3A_8 = arith.constant 0 : i32
    %dma_start3A_9 = tpu.memref_slice %arg5[%dma_start3A, %dma_start3A_8] : memref<1000000x64xf32, #tpu.memory_space<hbm>> -> memref<1000000x64xf32, #tpu.memory_space<hbm>>
    tpu.enqueue_indirect_dma source(%dma_start3A_9 : memref<1000000x64xf32, #tpu.memory_space<hbm>>) target(%arg13 : memref<128x64xf32, #tpu.memory_space<vmem>>) offsets(%arg12 : memref<128xi32, #tpu.memory_space<vmem>>) semaphore(%arg16 : memref<!tpu.dma_semaphore, #tpu.memory_space<semaphore_mem>>)
    %dma_wait3A = arith.constant 0 : i32
    %dma_wait3A_10 = arith.constant 0 : i32
    %dma_wait3A_11 = tpu.memref_slice %arg5[%dma_wait3A, %dma_wait3A_10] : memref<1000000x64xf32, #tpu.memory_space<hbm>> -> memref<1000000x64xf32, #tpu.memory_space<hbm>>
    tpu.wait_indirect_dma semaphore(%arg16 : memref<!tpu.dma_semaphore, #tpu.memory_space<semaphore_mem>>) src(%dma_wait3A_11 : memref<1000000x64xf32, #tpu.memory_space<hbm>>) dst(%arg13 : memref<128x64xf32, #tpu.memory_space<vmem>>)
    "tpu.region"() ({
      %run_scoped3A = tpu.sem_alloc : memref<!tpu.dma_semaphore, #tpu.memory_space<semaphore_mem>>
      %dma_start3A_78 = arith.constant 0 : i32
      %dma_start3A_79 = tpu.memref_slice %arg7[%mul3A_2, %dma_start3A_78] : memref<4096x64xf32, #tpu.memory_space<hbm>> -> memref<128x64xf32, #tpu.memory_space<hbm>>
      %dma_start3A_80 = arith.constant 0 : i32
      %dma_start3A_81 = tpu.memref_slice %arg7[%mul3A_2, %dma_start3A_80] : memref<4096x64xf32, #tpu.memory_space<hbm>> -> memref<128x64xf32, #tpu.memory_space<hbm>>
      tpu.enqueue_dma source(%arg13 : memref<128x64xf32, #tpu.memory_space<vmem>>) target(%dma_start3A_81 : memref<128x64xf32, #tpu.memory_space<hbm>>) target_semaphore(%run_scoped3A : memref<!tpu.dma_semaphore, #tpu.memory_space<semaphore_mem>>)
      %dma_wait3A_82 = arith.constant 0 : i32
      %dma_wait3A_83 = tpu.memref_slice %arg7[%mul3A_2, %dma_wait3A_82] : memref<4096x64xf32, #tpu.memory_space<hbm>> -> memref<128x64xf32, #tpu.memory_space<hbm>>
      %dma_wait3A_84 = arith.constant 0 : i32
      %dma_wait3A_85 = tpu.memref_slice %arg7[%mul3A_2, %dma_wait3A_84] : memref<4096x64xf32, #tpu.memory_space<hbm>> -> memref<128x64xf32, #tpu.memory_space<hbm>>
      tpu.wait_dma2 semaphore(%run_scoped3A : memref<!tpu.dma_semaphore, #tpu.memory_space<semaphore_mem>>) src(%arg13 : memref<128x64xf32, #tpu.memory_space<vmem>>) dst(%dma_wait3A_85 : memref<128x64xf32, #tpu.memory_space<hbm>>)
      tpu.yield
    }) : () -> ()
    %mul3A_12 = arith.constant 4 : i32
    %mul3A_13 = arith.muli %mul3A_2, %mul3A_12 : i32
    "tpu.region"() ({
      %run_scoped3A = tpu.sem_alloc : memref<!tpu.dma_semaphore, #tpu.memory_space<semaphore_mem>>
      %dma_start3A_78 = tpu.memref_slice %arg4[%mul3A_13] : memref<16384xi32, #tpu.memory_space<hbm>> -> memref<512xi32, #tpu.memory_space<hbm>>
      %dma_start3A_79 = tpu.memref_slice %arg4[%mul3A_13] : memref<16384xi32, #tpu.memory_space<hbm>> -> memref<512xi32, #tpu.memory_space<hbm>>
      tpu.enqueue_dma source(%dma_start3A_79 : memref<512xi32, #tpu.memory_space<hbm>>) target(%arg14 : memref<512xi32, #tpu.memory_space<vmem>>) target_semaphore(%run_scoped3A : memref<!tpu.dma_semaphore, #tpu.memory_space<semaphore_mem>>)
      %dma_wait3A_80 = tpu.memref_slice %arg4[%mul3A_13] : memref<16384xi32, #tpu.memory_space<hbm>> -> memref<512xi32, #tpu.memory_space<hbm>>
      %dma_wait3A_81 = tpu.memref_slice %arg4[%mul3A_13] : memref<16384xi32, #tpu.memory_space<hbm>> -> memref<512xi32, #tpu.memory_space<hbm>>
      tpu.wait_dma2 semaphore(%run_scoped3A : memref<!tpu.dma_semaphore, #tpu.memory_space<semaphore_mem>>) src(%dma_wait3A_81 : memref<512xi32, #tpu.memory_space<hbm>>) dst(%arg14 : memref<512xi32, #tpu.memory_space<vmem>>)
      tpu.yield
    }) : () -> ()
    %dma_start3A_14 = arith.constant 0 : i32
    %dma_start3A_15 = arith.constant 0 : i32
    %dma_start3A_16 = tpu.memref_slice %arg15[%dma_start3A_14, %dma_start3A_15] : memref<512x64xf32, #tpu.memory_space<vmem>> -> memref<128x64xf32, #tpu.memory_space<vmem>>
    %dma_start3A_17 = arith.constant 0 : i32
    %dma_start3A_18 = tpu.memref_slice %arg14[%dma_start3A_17] : memref<512xi32, #tpu.memory_space<vmem>> -> memref<128xi32, #tpu.memory_space<vmem>>
    %dma_start3A_19 = arith.constant 0 : i32
    %dma_start3A_20 = arith.constant 0 : i32
    %dma_start3A_21 = tpu.memref_slice %arg5[%dma_start3A_19, %dma_start3A_20] : memref<1000000x64xf32, #tpu.memory_space<hbm>> -> memref<1000000x64xf32, #tpu.memory_space<hbm>>
    tpu.enqueue_indirect_dma source(%dma_start3A_21 : memref<1000000x64xf32, #tpu.memory_space<hbm>>) target(%dma_start3A_16 : memref<128x64xf32, #tpu.memory_space<vmem>>) offsets(%dma_start3A_18 : memref<128xi32, #tpu.memory_space<vmem>>) semaphore(%arg16 : memref<!tpu.dma_semaphore, #tpu.memory_space<semaphore_mem>>)
    %dma_start3A_22 = arith.constant 128 : i32
    %dma_start3A_23 = arith.constant 0 : i32
    %dma_start3A_24 = tpu.memref_slice %arg15[%dma_start3A_22, %dma_start3A_23] : memref<512x64xf32, #tpu.memory_space<vmem>> -> memref<128x64xf32, #tpu.memory_space<vmem>>
    %dma_start3A_25 = arith.constant 128 : i32
    %dma_start3A_26 = tpu.memref_slice %arg14[%dma_start3A_25] : memref<512xi32, #tpu.memory_space<vmem>> -> memref<128xi32, #tpu.memory_space<vmem>>
    %dma_start3A_27 = arith.constant 0 : i32
    %dma_start3A_28 = arith.constant 0 : i32
    %dma_start3A_29 = tpu.memref_slice %arg5[%dma_start3A_27, %dma_start3A_28] : memref<1000000x64xf32, #tpu.memory_space<hbm>> -> memref<1000000x64xf32, #tpu.memory_space<hbm>>
    tpu.enqueue_indirect_dma source(%dma_start3A_29 : memref<1000000x64xf32, #tpu.memory_space<hbm>>) target(%dma_start3A_24 : memref<128x64xf32, #tpu.memory_space<vmem>>) offsets(%dma_start3A_26 : memref<128xi32, #tpu.memory_space<vmem>>) semaphore(%arg16 : memref<!tpu.dma_semaphore, #tpu.memory_space<semaphore_mem>>)
    %dma_start3A_30 = arith.constant 256 : i32
    %dma_start3A_31 = arith.constant 0 : i32
    %dma_start3A_32 = tpu.memref_slice %arg15[%dma_start3A_30, %dma_start3A_31] : memref<512x64xf32, #tpu.memory_space<vmem>> -> memref<128x64xf32, #tpu.memory_space<vmem>>
    %dma_start3A_33 = arith.constant 256 : i32
    %dma_start3A_34 = tpu.memref_slice %arg14[%dma_start3A_33] : memref<512xi32, #tpu.memory_space<vmem>> -> memref<128xi32, #tpu.memory_space<vmem>>
    %dma_start3A_35 = arith.constant 0 : i32
    %dma_start3A_36 = arith.constant 0 : i32
    %dma_start3A_37 = tpu.memref_slice %arg5[%dma_start3A_35, %dma_start3A_36] : memref<1000000x64xf32, #tpu.memory_space<hbm>> -> memref<1000000x64xf32, #tpu.memory_space<hbm>>
    tpu.enqueue_indirect_dma source(%dma_start3A_37 : memref<1000000x64xf32, #tpu.memory_space<hbm>>) target(%dma_start3A_32 : memref<128x64xf32, #tpu.memory_space<vmem>>) offsets(%dma_start3A_34 : memref<128xi32, #tpu.memory_space<vmem>>) semaphore(%arg16 : memref<!tpu.dma_semaphore, #tpu.memory_space<semaphore_mem>>)
    %dma_start3A_38 = arith.constant 384 : i32
    %dma_start3A_39 = arith.constant 0 : i32
    %dma_start3A_40 = tpu.memref_slice %arg15[%dma_start3A_38, %dma_start3A_39] : memref<512x64xf32, #tpu.memory_space<vmem>> -> memref<128x64xf32, #tpu.memory_space<vmem>>
    %dma_start3A_41 = arith.constant 384 : i32
    %dma_start3A_42 = tpu.memref_slice %arg14[%dma_start3A_41] : memref<512xi32, #tpu.memory_space<vmem>> -> memref<128xi32, #tpu.memory_space<vmem>>
    %dma_start3A_43 = arith.constant 0 : i32
    %dma_start3A_44 = arith.constant 0 : i32
    %dma_start3A_45 = tpu.memref_slice %arg5[%dma_start3A_43, %dma_start3A_44] : memref<1000000x64xf32, #tpu.memory_space<hbm>> -> memref<1000000x64xf32, #tpu.memory_space<hbm>>
    tpu.enqueue_indirect_dma source(%dma_start3A_45 : memref<1000000x64xf32, #tpu.memory_space<hbm>>) target(%dma_start3A_40 : memref<128x64xf32, #tpu.memory_space<vmem>>) offsets(%dma_start3A_42 : memref<128xi32, #tpu.memory_space<vmem>>) semaphore(%arg16 : memref<!tpu.dma_semaphore, #tpu.memory_space<semaphore_mem>>)
    %dma_wait3A_46 = arith.constant 0 : i32
    %dma_wait3A_47 = arith.constant 0 : i32
    %dma_wait3A_48 = tpu.memref_slice %arg15[%dma_wait3A_46, %dma_wait3A_47] : memref<512x64xf32, #tpu.memory_space<vmem>> -> memref<128x64xf32, #tpu.memory_space<vmem>>
    %dma_wait3A_49 = arith.constant 0 : i32
    %dma_wait3A_50 = tpu.memref_slice %arg14[%dma_wait3A_49] : memref<512xi32, #tpu.memory_space<vmem>> -> memref<128xi32, #tpu.memory_space<vmem>>
    %dma_wait3A_51 = arith.constant 0 : i32
    %dma_wait3A_52 = arith.constant 0 : i32
    %dma_wait3A_53 = tpu.memref_slice %arg5[%dma_wait3A_51, %dma_wait3A_52] : memref<1000000x64xf32, #tpu.memory_space<hbm>> -> memref<1000000x64xf32, #tpu.memory_space<hbm>>
    tpu.wait_indirect_dma semaphore(%arg16 : memref<!tpu.dma_semaphore, #tpu.memory_space<semaphore_mem>>) src(%dma_wait3A_53 : memref<1000000x64xf32, #tpu.memory_space<hbm>>) dst(%dma_wait3A_48 : memref<128x64xf32, #tpu.memory_space<vmem>>)
    %dma_wait3A_54 = arith.constant 128 : i32
    %dma_wait3A_55 = arith.constant 0 : i32
    %dma_wait3A_56 = tpu.memref_slice %arg15[%dma_wait3A_54, %dma_wait3A_55] : memref<512x64xf32, #tpu.memory_space<vmem>> -> memref<128x64xf32, #tpu.memory_space<vmem>>
    %dma_wait3A_57 = arith.constant 128 : i32
    %dma_wait3A_58 = tpu.memref_slice %arg14[%dma_wait3A_57] : memref<512xi32, #tpu.memory_space<vmem>> -> memref<128xi32, #tpu.memory_space<vmem>>
    %dma_wait3A_59 = arith.constant 0 : i32
    %dma_wait3A_60 = arith.constant 0 : i32
    %dma_wait3A_61 = tpu.memref_slice %arg5[%dma_wait3A_59, %dma_wait3A_60] : memref<1000000x64xf32, #tpu.memory_space<hbm>> -> memref<1000000x64xf32, #tpu.memory_space<hbm>>
    tpu.wait_indirect_dma semaphore(%arg16 : memref<!tpu.dma_semaphore, #tpu.memory_space<semaphore_mem>>) src(%dma_wait3A_61 : memref<1000000x64xf32, #tpu.memory_space<hbm>>) dst(%dma_wait3A_56 : memref<128x64xf32, #tpu.memory_space<vmem>>)
    %dma_wait3A_62 = arith.constant 256 : i32
    %dma_wait3A_63 = arith.constant 0 : i32
    %dma_wait3A_64 = tpu.memref_slice %arg15[%dma_wait3A_62, %dma_wait3A_63] : memref<512x64xf32, #tpu.memory_space<vmem>> -> memref<128x64xf32, #tpu.memory_space<vmem>>
    %dma_wait3A_65 = arith.constant 256 : i32
    %dma_wait3A_66 = tpu.memref_slice %arg14[%dma_wait3A_65] : memref<512xi32, #tpu.memory_space<vmem>> -> memref<128xi32, #tpu.memory_space<vmem>>
    %dma_wait3A_67 = arith.constant 0 : i32
    %dma_wait3A_68 = arith.constant 0 : i32
    %dma_wait3A_69 = tpu.memref_slice %arg5[%dma_wait3A_67, %dma_wait3A_68] : memref<1000000x64xf32, #tpu.memory_space<hbm>> -> memref<1000000x64xf32, #tpu.memory_space<hbm>>
    tpu.wait_indirect_dma semaphore(%arg16 : memref<!tpu.dma_semaphore, #tpu.memory_space<semaphore_mem>>) src(%dma_wait3A_69 : memref<1000000x64xf32, #tpu.memory_space<hbm>>) dst(%dma_wait3A_64 : memref<128x64xf32, #tpu.memory_space<vmem>>)
    %dma_wait3A_70 = arith.constant 384 : i32
    %dma_wait3A_71 = arith.constant 0 : i32
    %dma_wait3A_72 = tpu.memref_slice %arg15[%dma_wait3A_70, %dma_wait3A_71] : memref<512x64xf32, #tpu.memory_space<vmem>> -> memref<128x64xf32, #tpu.memory_space<vmem>>
    %dma_wait3A_73 = arith.constant 384 : i32
    %dma_wait3A_74 = tpu.memref_slice %arg14[%dma_wait3A_73] : memref<512xi32, #tpu.memory_space<vmem>> -> memref<128xi32, #tpu.memory_space<vmem>>
    %dma_wait3A_75 = arith.constant 0 : i32
    %dma_wait3A_76 = arith.constant 0 : i32
    %dma_wait3A_77 = tpu.memref_slice %arg5[%dma_wait3A_75, %dma_wait3A_76] : memref<1000000x64xf32, #tpu.memory_space<hbm>> -> memref<1000000x64xf32, #tpu.memory_space<hbm>>
    tpu.wait_indirect_dma semaphore(%arg16 : memref<!tpu.dma_semaphore, #tpu.memory_space<semaphore_mem>>) src(%dma_wait3A_77 : memref<1000000x64xf32, #tpu.memory_space<hbm>>) dst(%dma_wait3A_72 : memref<128x64xf32, #tpu.memory_space<vmem>>)
    "tpu.region"() ({
      %run_scoped3A = tpu.sem_alloc : memref<!tpu.dma_semaphore, #tpu.memory_space<semaphore_mem>>
      %dma_start3A_78 = arith.constant 0 : i32
      %dma_start3A_79 = tpu.memref_slice %arg8[%mul3A_13, %dma_start3A_78] : memref<16384x64xf32, #tpu.memory_space<hbm>> -> memref<512x64xf32, #tpu.memory_space<hbm>>
      %dma_start3A_80 = arith.constant 0 : i32
      %dma_start3A_81 = tpu.memref_slice %arg8[%mul3A_13, %dma_start3A_80] : memref<16384x64xf32, #tpu.memory_space<hbm>> -> memref<512x64xf32, #tpu.memory_space<hbm>>
      tpu.enqueue_dma source(%arg15 : memref<512x64xf32, #tpu.memory_space<vmem>>) target(%dma_start3A_81 : memref<512x64xf32, #tpu.memory_space<hbm>>) target_semaphore(%run_scoped3A : memref<!tpu.dma_semaphore, #tpu.memory_space<semaphore_mem>>)
      %dma_wait3A_82 = arith.constant 0 : i32
      %dma_wait3A_83 = tpu.memref_slice %arg8[%mul3A_13, %dma_wait3A_82] : memref<16384x64xf32, #tpu.memory_space<hbm>> -> memref<512x64xf32, #tpu.memory_space<hbm>>
      %dma_wait3A_84 = arith.constant 0 : i32
      %dma_wait3A_85 = tpu.memref_slice %arg8[%mul3A_13, %dma_wait3A_84] : memref<16384x64xf32, #tpu.memory_space<hbm>> -> memref<512x64xf32, #tpu.memory_space<hbm>>
      tpu.wait_dma2 semaphore(%run_scoped3A : memref<!tpu.dma_semaphore, #tpu.memory_space<semaphore_mem>>) src(%arg15 : memref<512x64xf32, #tpu.memory_space<vmem>>) dst(%dma_wait3A_85 : memref<512x64xf32, #tpu.memory_space<hbm>>)
      tpu.yield
    }) : () -> ()
    return
  }
}

module attributes {stable_mosaic.version = 14 : i64} {
  func.func @body(%arg0: i32, %arg1: memref<512x64xf32, #tpu.memory_space<vmem>>, %arg2: memref<512x200xi32, #tpu.memory_space<vmem>>, %arg3: memref<1x64xf32, #tpu.memory_space<vmem>>, %arg4: memref<512x64xf32, #tpu.memory_space<vmem>>, %arg5: memref<512x256xf32, #tpu.memory_space<vmem>>, %arg6: memref<64x128xf32, #tpu.memory_space<vmem>>, %arg7: memref<1x128xf32, #tpu.memory_space<vmem>>, %arg8: memref<128x64xf32, #tpu.memory_space<vmem>>, %arg9: memref<1x64xf32, #tpu.memory_space<vmem>>, %arg10: memref<512x5xf32, #tpu.memory_space<vmem>>) attributes {dimension_semantics = [#tpu.dimension_semantics<arbitrary>], iteration_bounds = array<i64: 8>, scalar_prefetch = 0 : i64, scratch_operands = 0 : i64, tpu.core_type = #tpu.core_type<tc>, window_params = [{transform_indices = @transform_0, window_bounds = array<i64: 512, 64>}, {transform_indices = @transform_1, window_bounds = array<i64: 512, 200>}, {pipeline_mode = #tpu.pipeline_mode<synchronous>, transform_indices = @transform_2, window_bounds = array<i64: 1, 64>}, {transform_indices = @transform_3, window_bounds = array<i64: 512, 64>}, {transform_indices = @transform_4, window_bounds = array<i64: 512, 256>}, {pipeline_mode = #tpu.pipeline_mode<synchronous>, transform_indices = @transform_5, window_bounds = array<i64: 64, 128>}, {pipeline_mode = #tpu.pipeline_mode<synchronous>, transform_indices = @transform_6, window_bounds = array<i64: 1, 128>}, {pipeline_mode = #tpu.pipeline_mode<synchronous>, transform_indices = @transform_7, window_bounds = array<i64: 128, 64>}, {pipeline_mode = #tpu.pipeline_mode<synchronous>, transform_indices = @transform_8, window_bounds = array<i64: 1, 64>}, {transform_indices = @transform_9, window_bounds = array<i64: 512, 5>}]} {
    %get3A = arith.constant 0 : index
    %get3A_0 = arith.constant 0 : index
    %get3A_1 = vector.load %arg2[%get3A, %get3A_0] : memref<512x200xi32, #tpu.memory_space<vmem>>, vector<512x200xi32>
    %eq3A = arith.constant 0 : i32
    %eq3A_2 = vector.broadcast %eq3A : i32 to vector<512x200xi32>
    %eq3A_3 = arith.cmpi eq, %get3A_1, %eq3A_2 : vector<512x200xi32>
    %convert_element_type3A = arith.extui %eq3A_3 : vector<512x200xi1> to vector<512x200xi32>
    %convert_element_type3A_4 = arith.sitofp %convert_element_type3A : vector<512x200xi32> to vector<512x200xf32>
    %reduce_sum3A = arith.constant dense<0.000000e+00> : vector<512xf32>
    %reduce_sum3A_5 = vector.multi_reduction <add>, %convert_element_type3A_4, %reduce_sum3A [1] : vector<512x200xf32> to vector<512xf32>
    %broadcast_in_dim3A = vector.shape_cast %reduce_sum3A_5 : vector<512xf32> to vector<512x1xf32>
    %get3A_6 = arith.constant 0 : index
    %get3A_7 = arith.constant 0 : index
    %get3A_8 = vector.load %arg1[%get3A_6, %get3A_7] : memref<512x64xf32, #tpu.memory_space<vmem>>, vector<512x64xf32>
    %get3A_9 = arith.constant 0 : index
    %get3A_10 = arith.constant 0 : index
    %get3A_11 = vector.load %arg3[%get3A_9, %get3A_10] : memref<1x64xf32, #tpu.memory_space<vmem>>, vector<1x64xf32>
    %mul3A = vector.broadcast %broadcast_in_dim3A : vector<512x1xf32> to vector<512x64xf32>
    %mul3A_12 = vector.broadcast %get3A_11 : vector<1x64xf32> to vector<512x64xf32>
    %mul3A_13 = arith.mulf %mul3A, %mul3A_12 : vector<512x64xf32>
    %sub3A = arith.subf %get3A_8, %mul3A_13 : vector<512x64xf32>
    %mul3A_14 = arith.constant 5.000000e-03 : f32
    %mul3A_15 = vector.broadcast %mul3A_14 : f32 to vector<512x64xf32>
    %mul3A_16 = arith.mulf %sub3A, %mul3A_15 : vector<512x64xf32>
    %get3A_17 = arith.constant 0 : index
    %get3A_18 = arith.constant 0 : index
    %get3A_19 = vector.load %arg6[%get3A_17, %get3A_18] : memref<64x128xf32, #tpu.memory_space<vmem>>, vector<64x128xf32>
    %dot_general3A = arith.constant dense<0.000000e+00> : vector<512x128xf32>
    %dot_general3A_20 = tpu.matmul %mul3A_16, %get3A_19, %dot_general3A {dimension_numbers = #tpu.dot_dimension_numbers<[1], [0], [0], [1], [0, 0, 1, 1], [], []>, transpose_lhs_hint = false} : vector<512x64xf32>, vector<64x128xf32>, vector<512x128xf32> -> vector<512x128xf32>
    %get3A_21 = arith.constant 0 : index
    %get3A_22 = arith.constant 0 : index
    %get3A_23 = vector.load %arg7[%get3A_21, %get3A_22] : memref<1x128xf32, #tpu.memory_space<vmem>>, vector<1x128xf32>
    %add3A = vector.broadcast %get3A_23 : vector<1x128xf32> to vector<512x128xf32>
    %add3A_24 = arith.addf %dot_general3A_20, %add3A : vector<512x128xf32>
    %max3A = arith.constant 0.000000e+00 : f32
    %max3A_25 = vector.broadcast %max3A : f32 to vector<512x128xf32>
    %max3A_26 = arith.maximumf %add3A_24, %max3A_25 : vector<512x128xf32>
    %get3A_27 = arith.constant 0 : index
    %get3A_28 = arith.constant 0 : index
    %get3A_29 = vector.load %arg8[%get3A_27, %get3A_28] : memref<128x64xf32, #tpu.memory_space<vmem>>, vector<128x64xf32>
    %dot_general3A_30 = arith.constant dense<0.000000e+00> : vector<512x64xf32>
    %dot_general3A_31 = tpu.matmul %max3A_26, %get3A_29, %dot_general3A_30 {dimension_numbers = #tpu.dot_dimension_numbers<[1], [0], [0], [1], [0, 0, 1, 1], [], []>, transpose_lhs_hint = false} : vector<512x128xf32>, vector<128x64xf32>, vector<512x64xf32> -> vector<512x64xf32>
    %get3A_32 = arith.constant 0 : index
    %get3A_33 = arith.constant 0 : index
    %get3A_34 = vector.load %arg9[%get3A_32, %get3A_33] : memref<1x64xf32, #tpu.memory_space<vmem>>, vector<1x64xf32>
    %add3A_35 = vector.broadcast %get3A_34 : vector<1x64xf32> to vector<512x64xf32>
    %add3A_36 = arith.addf %dot_general3A_31, %add3A_35 : vector<512x64xf32>
    %max3A_37 = arith.constant 0.000000e+00 : f32
    %max3A_38 = vector.broadcast %max3A_37 : f32 to vector<512x64xf32>
    %max3A_39 = arith.maximumf %add3A_36, %max3A_38 : vector<512x64xf32>
    %get3A_40 = arith.constant 0 : index
    %get3A_41 = arith.constant 0 : index
    %get3A_42 = vector.load %arg4[%get3A_40, %get3A_41] : memref<512x64xf32, #tpu.memory_space<vmem>>, vector<512x64xf32>
    %mul3A_43 = arith.mulf %max3A_39, %get3A_42 : vector<512x64xf32>
    %reduce_sum3A_44 = arith.constant dense<0.000000e+00> : vector<512xf32>
    %reduce_sum3A_45 = vector.multi_reduction <add>, %mul3A_43, %reduce_sum3A_44 [1] : vector<512x64xf32> to vector<512xf32>
    %broadcast_in_dim3A_46 = vector.shape_cast %reduce_sum3A_45 : vector<512xf32> to vector<512x1xf32>
    %get3A_47 = arith.constant 0 : index
    %get3A_48 = arith.constant 0 : index
    %get3A_49 = vector.load %arg5[%get3A_47, %get3A_48] : memref<512x256xf32, #tpu.memory_space<vmem>>, vector<512x64xf32>
    %mul3A_50 = arith.mulf %max3A_39, %get3A_49 : vector<512x64xf32>
    %reduce_sum3A_51 = arith.constant dense<0.000000e+00> : vector<512xf32>
    %reduce_sum3A_52 = vector.multi_reduction <add>, %mul3A_50, %reduce_sum3A_51 [1] : vector<512x64xf32> to vector<512xf32>
    %broadcast_in_dim3A_53 = vector.shape_cast %reduce_sum3A_52 : vector<512xf32> to vector<512x1xf32>
    %get3A_54 = arith.constant 0 : index
    %get3A_55 = arith.constant 64 : index
    %get3A_56 = vector.load %arg5[%get3A_54, %get3A_55] : memref<512x256xf32, #tpu.memory_space<vmem>>, vector<512x64xf32>
    %mul3A_57 = arith.mulf %max3A_39, %get3A_56 : vector<512x64xf32>
    %reduce_sum3A_58 = arith.constant dense<0.000000e+00> : vector<512xf32>
    %reduce_sum3A_59 = vector.multi_reduction <add>, %mul3A_57, %reduce_sum3A_58 [1] : vector<512x64xf32> to vector<512xf32>
    %broadcast_in_dim3A_60 = vector.shape_cast %reduce_sum3A_59 : vector<512xf32> to vector<512x1xf32>
    %get3A_61 = arith.constant 0 : index
    %get3A_62 = arith.constant 128 : index
    %get3A_63 = vector.load %arg5[%get3A_61, %get3A_62] : memref<512x256xf32, #tpu.memory_space<vmem>>, vector<512x64xf32>
    %mul3A_64 = arith.mulf %max3A_39, %get3A_63 : vector<512x64xf32>
    %reduce_sum3A_65 = arith.constant dense<0.000000e+00> : vector<512xf32>
    %reduce_sum3A_66 = vector.multi_reduction <add>, %mul3A_64, %reduce_sum3A_65 [1] : vector<512x64xf32> to vector<512xf32>
    %broadcast_in_dim3A_67 = vector.shape_cast %reduce_sum3A_66 : vector<512xf32> to vector<512x1xf32>
    %get3A_68 = arith.constant 0 : index
    %get3A_69 = arith.constant 192 : index
    %get3A_70 = vector.load %arg5[%get3A_68, %get3A_69] : memref<512x256xf32, #tpu.memory_space<vmem>>, vector<512x64xf32>
    %mul3A_71 = arith.mulf %max3A_39, %get3A_70 : vector<512x64xf32>
    %reduce_sum3A_72 = arith.constant dense<0.000000e+00> : vector<512xf32>
    %reduce_sum3A_73 = vector.multi_reduction <add>, %mul3A_71, %reduce_sum3A_72 [1] : vector<512x64xf32> to vector<512xf32>
    %broadcast_in_dim3A_74 = vector.shape_cast %reduce_sum3A_73 : vector<512xf32> to vector<512x1xf32>
    %concatenate3A = tpu.concatenate %broadcast_in_dim3A_46, %broadcast_in_dim3A_53, %broadcast_in_dim3A_60, %broadcast_in_dim3A_67, %broadcast_in_dim3A_74 in 1 : vector<512x1xf32>, vector<512x1xf32>, vector<512x1xf32>, vector<512x1xf32>, vector<512x1xf32> -> vector<512x5xf32>
    %swap3A = arith.constant 0 : index
    %swap3A_75 = arith.constant 0 : index
    %swap3A_76 = vector.load %arg10[%swap3A, %swap3A_75] : memref<512x5xf32, #tpu.memory_space<vmem>>, vector<512x5xf32>
    tpu.vector_store %arg10[%swap3A, %swap3A_75], %concatenate3A {strides = array<i32>} : memref<512x5xf32, #tpu.memory_space<vmem>>, vector<512x5xf32>,
    return
  }
  func.func @transform_0(%arg0: i32) -> (i32, i32) {
    %c0_i32 = arith.constant 0 : i32
    %c0_i32_0 = arith.constant 0 : i32
    return %arg0, %c0_i32 : i32, i32
  }
  func.func @transform_1(%arg0: i32) -> (i32, i32) {
    %c0_i32 = arith.constant 0 : i32
    %c0_i32_0 = arith.constant 0 : i32
    return %arg0, %c0_i32 : i32, i32
  }
  func.func @transform_2(%arg0: i32) -> (i32, i32) {
    %c0_i32 = arith.constant 0 : i32
    %c0_i32_0 = arith.constant 0 : i32
    %c0_i32_1 = arith.constant 0 : i32
    return %c0_i32, %c0_i32_0 : i32, i32
  }
  func.func @transform_3(%arg0: i32) -> (i32, i32) {
    %c0_i32 = arith.constant 0 : i32
    %c0_i32_0 = arith.constant 0 : i32
    return %arg0, %c0_i32 : i32, i32
  }
  func.func @transform_4(%arg0: i32) -> (i32, i32) {
    %c0_i32 = arith.constant 0 : i32
    %c0_i32_0 = arith.constant 0 : i32
    return %arg0, %c0_i32 : i32, i32
  }
  func.func @transform_5(%arg0: i32) -> (i32, i32) {
    %c0_i32 = arith.constant 0 : i32
    %c0_i32_0 = arith.constant 0 : i32
    %c0_i32_1 = arith.constant 0 : i32
    return %c0_i32, %c0_i32_0 : i32, i32
  }
  func.func @transform_6(%arg0: i32) -> (i32, i32) {
    %c0_i32 = arith.constant 0 : i32
    %c0_i32_0 = arith.constant 0 : i32
    %c0_i32_1 = arith.constant 0 : i32
    return %c0_i32, %c0_i32_0 : i32, i32
  }
  func.func @transform_7(%arg0: i32) -> (i32, i32) {
    %c0_i32 = arith.constant 0 : i32
    %c0_i32_0 = arith.constant 0 : i32
    %c0_i32_1 = arith.constant 0 : i32
    return %c0_i32, %c0_i32_0 : i32, i32
  }
  func.func @transform_8(%arg0: i32) -> (i32, i32) {
    %c0_i32 = arith.constant 0 : i32
    %c0_i32_0 = arith.constant 0 : i32
    %c0_i32_1 = arith.constant 0 : i32
    return %c0_i32, %c0_i32_0 : i32, i32
  }
  func.func @transform_9(%arg0: i32) -> (i32, i32) {
    %c0_i32 = arith.constant 0 : i32
    %c0_i32_0 = arith.constant 0 : i32
    return %arg0, %c0_i32 : i32, i32
  }
}

</mosaic_0001>

<sc_bundles>
// kernel: kernel.4.cloned.1.call-start
scs
__scs_entry_jumppad:
0x0: {  	(pc) =	sbr.rel $0x88, $3  }
0x1: {  	(tag) =	ssettag $0x0;
	lr =	simm.s32 $0x1  }
0x2: {  	[smem:$0x3F99] =	sst lr;
	_ =	strace $0xD0000000  }
0x3: {  	_ = 	snop  }
0x4: {  	_ = 	snop  }
0x5: {  	_ = 	snop  }
0x6: {  	_ = 	snop  }
0x7: {  	_ = 	snop  }
__scs_overlays_trampoline_lowered:
0x8: {  	[smem:$0x3FA8] =	sst s0  }
0x9: {  	[smem:$0x3FA9] =	sst s1  }
0xa: {  	[smem:$0x3FAA] =	sst s2  }
0xb: {  	[smem:$0x3FAB] =	sst s3  }
0xc: {  	[smem:$0x3FAC] =	sst s4  }
0xd: {  	[smem:$0x3FAD] =	sst s5  }
0xe: {  	[smem:$0x3FAE] =	sst s6  }
0xf: {  	[smem:$0x3FAF] =	sst s7  }
0x10: {  	[smem:$0x3FB0] =	sst s8  }
0x11: {  	[smem:$0x3FB1] =	sst s9;
	s0 =	simm.s32 @!p0 $0x0  }
0x12: {  	s1 =	sld [smem:$0x3F97];
	s0 =	simm.s32 @p0 $0x1  }
0x13: {  	[smem:$0x3FB2] =	sst s0;
	s0 =	simm.s32 @!p1 $0x0  }
0x14: {  	s2 =	sld [smem:$0x3F96];
	s0 =	simm.s32 @p1 $0x1  }
0x15: {  	[smem:$0x3FB3] =	sst s0;
	s0 =	simm.s32 @!p2 $0x0  }
0x16: {  	s3 =	sld [smem:$0x3FDB];
	s0 =	simm.s32 @p2 $0x1  }
0x17: {  	s4 =	simm.s32 $0x1BF5;
	[smem:$0x3FB5] =	sst s0  }
0x18: {  	s0 =	sld [smem:$0x3F98];
	_ =	swait.ge [sflag:s4], $0x0  }
0x19: {  	s7 =	sld [smem:$0x3F99]  }
0x1a: {  	s8 =	sadd.s32 $0xFFFFE003, lr  }
0x1b: {  	s9 =	sadd.s32 $0xFFFFFEF7, lr;
	s5 =	simm.s32 $0xFFFFFFFF;
	p2 =	slt.u32 s8, $0xFFFFF086  }
0x1c: {  	p1 =	slt.u32 s9, $0xF7A;
	s5 =	simm.s32 @!p2 $0x0  }
0x1d: {  	s5 =	simm.s32 @p1 $0x1;
	p0 =	seq.s32 s7, s2  }
0x1e: {  	s7 =	smul.u32 @!p0 $0xF7A, s2;
	p2 =	seq.s32 @!p0 s5, $0x0  }
0x1f: {  	s9 =	smul.u32 $0xF7A, s1;
	s8 =	simm.s32 @!p0 $0x1BF5;
	p2 =	por !p2, p0  }
0x20: {  	[sflag:s8] =	ssyncset.s32 @!p0 $0xFFFFF086;
	s6 =	sadd.s32 @!p0 s3, s7;
	s7 =	simm.s32 @!p0 $0x108  }
0x21: {  	s3 =	sadd.s32 s3, s9;
	s6 =	sadd.s32 @!p0 $0x88, s6;
	s7 =	simm.s32 @p2 $0x1082  }
0x22: {  	[simem:s7], [sflag:s8] =	dma.local @!p0 [hbm:s6], $0xF7A  }
0x23: {  	s9 =	sor.u32 $0xD0000000, s2;
	s6 =	simm.s32 $0x108;
	_ =	swait.ge @!p0 [sflag:s8], $0x0  }
0x24: {  	s3 =	sadd.s32 $0x88, s3;
	s6 =	simm.s32 @!p1 $0x1082;
	[sflag:s4] =	ssyncset.s32 $0xFFFFF086  }
0x25: {  	[simem:s6], [sflag:s4] =	dma.local [hbm:s3], $0xF7A  }
0x26: {  	[smem:$0x3F99] =	sst s1;
	(tag) =	ssettag s2;
	_ =	strace s9  }
0x27: {  	s1 =	sld [smem:$0x3FA9]  }
0x28: {  	s2 =	sld [smem:$0x3FAA]  }
0x29: {  	s4 =	sld [smem:$0x3FAC]  }
0x2a: {  	p0 =	seq.s32 s5, $0x0;
	s5 =	sld [smem:$0x3FAD]  }
0x2b: {  	s6 =	sld [smem:$0x3FAE]  }
0x2c: {  	s7 =	sld [smem:$0x3FAF]  }
0x2d: {  	s3 =	simm.s32 $0x108;
	s8 =	sld [smem:$0x3FB0]  }
0x2e: {  	s3 =	simm.s32 @!p0 $0x1082;
	s9 =	sld [smem:$0x3FB1]  }
0x2f: {  	lr =	sadd.s32 s0, s3;
	s0 =	sld [smem:$0x3FA8]  }
0x30: {  	s3 =	sld [smem:$0x3FAB]  }
0x31: {  	[smem:$0x3FB4] =	sst s10  }
0x32: {  	s10 =	sld [smem:$0x3FB2];
	_ =	sdelay $0x3  }
0x33: {  	p0 =	seq.s32 s10, $0x1;
	s10 =	sld [smem:$0x3FB4];
	_ =	sdelay $0x3  }
0x34: {  	[smem:$0x3FB4] =	sst s10  }
0x35: {  	s10 =	sld [smem:$0x3FB3];
	_ =	sdelay $0x3  }
0x36: {  	p1 =	seq.s32 s10, $0x1;
	s10 =	sld [smem:$0x3FB4];
	_ =	sdelay $0x3  }
0x37: {  	[smem:$0x3FB4] =	sst s10  }
0x38: {  	s10 =	sld [smem:$0x3FB5]  }
0x39: {  	_ = 	snop;
	(pc) =	sbr.ind lr, $3  }
0x3a: {  	_ = 	snop  }
0x3b: {  	_ = 	snop  }
0x3c: {  	p2 =	seq.s32 s10, $0x1;
	s10 =	sld [smem:$0x3FB4]  }
0x3d: {  	_ =	shalt  }
0x3e: {  	_ =	shalt  }
0x3f: {  	_ =	shalt  }
0x40: {  	_ =	shalt  }
0x41: {  	_ =	shalt  }
0x42: {  	_ =	shalt  }
0x43: {  	_ =	shalt  }
0x44: {  	_ =	shalt  }
0x45: {  	_ =	shalt  }
0x46: {  	_ =	shalt  }
0x47: {  	_ =	shalt  }
0x48: {  	_ =	shalt  }
0x49: {  	_ =	shalt  }
0x4a: {  	_ =	shalt  }
0x4b: {  	_ =	shalt  }
0x4c: {  	_ =	shalt  }
0x4d: {  	_ =	shalt  }
0x4e: {  	_ =	shalt  }
0x4f: {  	_ =	shalt  }
0x50: {  	_ =	shalt  }
0x51: {  	_ =	shalt  }
0x52: {  	_ =	shalt  }
0x53: {  	_ =	shalt  }
0x54: {  	_ =	shalt  }
0x55: {  	_ =	shalt  }
0x56: {  	_ =	shalt  }
0x57: {  	_ =	shalt  }
0x58: {  	_ =	shalt  }
0x59: {  	_ =	shalt  }
0x5a: {  	_ =	shalt  }
0x5b: {  	_ =	shalt  }
0x5c: {  	_ =	shalt  }
0x5d: {  	_ =	shalt  }
0x5e: {  	_ =	shalt  }
0x5f: {  	_ =	shalt  }
0x60: {  	_ =	shalt  }
0x61: {  	_ =	shalt  }
0x62: {  	_ =	shalt  }
0x63: {  	_ =	shalt  }
0x64: {  	_ =	shalt  }
0x65: {  	_ =	shalt  }
0x66: {  	_ =	shalt  }
0x67: {  	_ =	shalt  }
0x68: {  	_ =	shalt  }
0x69: {  	_ =	shalt  }
0x6a: {  	_ =	shalt  }
0x6b: {  	_ =	shalt  }
0x6c: {  	_ =	shalt  }
0x6d: {  	_ =	shalt  }
0x6e: {  	_ =	shalt  }
0x6f: {  	_ =	shalt  }
0x70: {  	_ =	shalt  }
0x71: {  	_ =	shalt  }
0x72: {  	_ =	shalt  }
0x73: {  	_ =	shalt  }
0x74: {  	_ =	shalt  }
0x75: {  	_ =	shalt  }
0x76: {  	_ =	shalt  }
0x77: {  	_ =	shalt  }
0x78: {  	_ =	shalt  }
0x79: {  	_ =	shalt  }
0x7a: {  	_ =	shalt  }
0x7b: {  	_ =	shalt  }
0x7c: {  	_ =	shalt  }
0x7d: {  	_ =	shalt  }
0x7e: {  	_ =	shalt  }
0x7f: {  	_ =	shalt  }
0x80: {  	_ =	shalt  }
0x81: {  	_ =	shalt  }
0x82: {  	_ =	shalt  }
0x83: {  	_ =	shalt  }
0x84: {  	_ =	shalt  }
0x85: {  	_ =	shalt  }
0x86: {  	_ =	shalt  }
0x87: {  	_ =	shalt  }
.Lfunc_end0:
.L_simem_size_0:
called_computation_lowered:
.L_overlay_start_0:
0x88: {  	s2 =	sld [smem:$0x3FD9]  }
0x89: {  	s3 =	sld [smem:$0x3FFE];
	_ =	sdelay $0x1  }
0x8a: {  	s1 =	srdreg.scid  }
0x8b: {  	s0 =	sand.u32 $0x1, s1  }
0x8c: {  	s17 =	sshll.u32 s0, $0xA;
	s2 =	sadd.s32 s3, s2  }
0x8d: {  	s2 =	sadd.s32 s2, s17  }
0x8e: {  	[smem:$0x3FC0] =	sst s2  }
0x8f: {  	_ = 	snop  }
0x90: {  	s2 =	sld [smem:$0x3FC8]  }
0x91: {  	s18 =	sld [smem:$0x3FD0];
	(tm) =	ssettm $0x1  }
0x92: {  	s4 =	sld [smem:$0x3FFB];
	_ =	sdelay $0x3  }
0x93: {  	_ =	strace s4  }
0x94: {  	s4 =	sld [smem:$0x3FFC];
	_ =	sdelay $0x3  }
0x95: {  	_ =	strace s4  }
0x96: {  	s4 =	sld [smem:$0x3FFD];
	_ =	sdelay $0x3  }
0x97: {  	_ =	strace s4  }
0x98: {  	_ =	strace $0x8FFFFFFF  }
0x99: {  	s19 =	sld [smem:$0x3FDB];
	_ =	sdelay $0x1  }
0x9a: {  	s5 =	simm.s32 $_scs_section_size  }
0x9b: {  	s6 =	simm.s32 $_size__tile_overlayer_lowered;
	s7 =	simm.s32 $_tile_overlayer_lowered  }
0x9c: {  	s22 =	simm.s32 $0x1BFF;
	s21 =	sshll.u32 s7, $0x1;
	s4 =	sadd.s32 s5, s19  }
0x9d: {  	s8 =	simm.s32 $0x0;
	s20 =	sshll.u32 s6, $0x1;
	s6 =	sadd.s32 s21, s4  }
0x9e: {  	[timem:s8], [sflag:s22] =	dma.local [hbm:s6], s20  }
0x9f: {  	_ =	swait.ge [sflag:s22], s20  }
0xa0: {  	s5 =	ssub.s32 $0x0, s20;
	[sflag:s22] =	ssyncset.done $0x0  }
0xa1: {  	[sflag:s22] =	ssyncadd.s32 s5;
	_ =	sdelay $0x1  }
0xa2: {  	s23 =	simm.s32 $0x1B8B  }
0xa3: {  	_ =	swait.ge [sflag:s23], $0x1  }
0xa4: {  	[sflag:s23] =	ssyncset.done $0x0  }
0xa5: {  	s25 =	simm.s32 $0x1B8E;
	s24 =	sld [smem:$0x3FFE];
	[sflag:s23] =	ssyncadd.s32 $0xFFFFFFFF  }
0xa6: {  	s26 =	simm.s32 $execute0_lowered;
	[smem:$0x3FD2] =	sst s25  }
0xa7: {  	s6 =	sshll.u32 s26, $0x1;
	_ =	strace $0x80000046;
	[dreg:$0x1] =	wrdreg $0xFFFFFFFF  }
0xa8: {  	s28 =	simm.s32 $_size_execute0_lowered;
	s4 =	sadd.s32 s4, s6;
	[dreg:$0x0] =	wrdreg $0x0  }
0xa9: {  	s6 =	sshll.u32 s28, $0x1;
	[dreg:$0x2] =	wrdreg s4  }
0xaa: {  	[dreg:$0x3] =	wrdreg s6  }
0xab: {  	[dreg:$0x4] =	wrdreg $0xC0  }
0xac: {  	_ =	task [dreg:s8], $0x5FFFF  }
0xad: {  	[dreg:$0x1] =	wrdreg $0xFFFFFFFF  }
0xae: {  	[dreg:$0x0] =	wrdreg $0x60  }
0xaf: {  	[dreg:$0x2] =	wrdreg s24  }
0xb0: {  	[dreg:$0x3] =	wrdreg s2  }
0xb1: {  	[dreg:$0x4] =	wrdreg s18  }
0xb2: {  	[dreg:$0x5] =	wrdreg $0x9  }
0xb3: {  	_ =	task.clear_ibuf [dreg:s8], $0x6FFFF;
	_ =	strace $0x90000046  }
0xb4: {  	s29 =	simm.s32 $0x9;
	_ =	strace $0x80000048  }
0xb5: {  	_ =	swait.ge [sflag:s29], $0x1  }
0xb6: {  	[sflag:s29] =	ssyncadd.s32 $0xFFFFFFFF  }
0xb7: {  	_ =	strace $0x90000048  }
0xb8: {  	_ =	sfence  }
0xb9: {  	s30 =	sld [smem:$0x0];
	_ =	sdelay $0x2  }
0xba: {  	s31 =	sshll.u32 s1, $0xD;
	s1 =	sshrl.u32 s1, $0x2  }
0xbb: {  	s3 =	sand.u32 $0x4000, s31;
	s1 =	sadd.s32 s1, s30  }
0xbc: {  	s0 =	sor.u32 s3, s0;
	s1 =	sshll.u32 s1, $0x11  }
0xbd: {  	s0 =	sor.u32 s1, s0  }
0xbe: {  	s0 =	sadd.s32 $0x8F2B, s0  }
0xbf: {  	[sflag:s0] =	ssyncadd.remote.s32 $0x1  }
0xc0: {  	_ =	sfence.sel $0xFFFF  }
0xc1: {  	[dreg:$0x0] =	wrdreg $0xFFFFFFFF;
	(pc) =	sbr.abs _section_cstart, $3  }
0xc2: {  	[dreg:$0x1] =	wrdreg $0xFFFFFFFF  }
0xc3: {  	_ =	task.clear_ibuf [dreg:s8], $0x2FFFF;
	_ =	strace $0x9FFFFFFF  }
0xc4: {  	(tm) =	ssettm $0x7FFFFFFF  }
0xc5: {  	_ =	shalt  }
tec
execute0_lowered:
.L_overlay_start_1:
0x0: {  	(tag) =	ssettag $0x1  }
0x1: {  	s0 =	rddreg [dreg:$0x0]  }
0x2: {  	s1 =	rddreg [dreg:$0x1]  }
0x3: {  	s9 =	rddreg [dreg:$0x2];
	s2 =	simm.s32 $0x0  }
0x4: {  	s4 =	srdreg.scid;
	s6 =	stileid.u32;
	s13 =	simm.s32 $0x50  }
0x5: {  	s14 =	simm.s32 $0x190;
	s15 =	simm.s32 $0x1590;
	s16 =	simm.s32 $0xA0  }
0x6: {  	s17 =	simm.s32 $0x2990;
	s18 =	simm.s32 $0xF0;
	s19 =	simm.s32 $0x3D90  }
0x7: {  	s20 =	simm.s32 $0x140;
	s21 =	simm.s32 $0x5190;
	s22 =	simm.s32 $0x1  }
0x8: {  	s24 =	simm.s32 $0x8590;
	s25 =	simm.s32 $0x80;
	s28 =	simm.s32 $0xA610  }
0x9: {  	s29 =	simm.s32 $0xA810;
	s31 =	simm.s32 $0x0;
	[smem:$0x7FF] =	sst s2  }
0xa: {  	s3 =	sadd.s32 $0x21800, s0;
	s5 =	sand.u32 $0x1, s4;
	s6 =	sshll.u32 s6, $0x1  }
0xb: {  	s4 =	sadd.s32 $0xF7CC00, s0;
	_ =	strace $0x80000047;
	s10 =	sor.u32 s5, s6  }
0xc: {  	s5 =	ssub.s32 $0x2, s5;
	s6 =	sshll.u32 s10, $0xA;
	s7 =	sshll.u32 s10, $0xC  }
0xd: {  	s8 =	sshrl.u32 s5, $0x1;
	s26 =	sshll.u32 s10, $0x4;
	s30 =	sshll.u32 s10, $0x6  }
0xe: {  	s11 =	sadd.s32 s6, s0;
	s0 =	sadd.s32 s7, s0;
	s12 =	ssub.s32 s5, s8  }
0xf: {  	s5 =	sshll.u32 s10, $0x7;
	s7 =	sadd.s32 s1, s26;
	s26 =	simm.s32 $0x8610  }
0x10: {  	s9 =	sadd.s32 s9, s30;
	s6 =	sadd.s32 $0x1725E00, s11;
	s8 =	sadd.s32 $0x171DE00, s11  }
0x11: {  	s10 =	sadd.s32 $0x172DE00, s0;
	s11 =	smax.u32 s12, $0x1;
	s12 =	simm.s32 $0x2  }
.LBB2_1:
0x12: {  	s0 =	simm.s32 $0x0  }
.LBB2_2:
0x13: {  	s1 =	sshll.u32 s0, $0x1  }
0x14: {  	s1 =	sadd.s32 s5, s1  }
0x15: {  	s1 =	smul.u32 $0x19, s1;
	_ =	sdelay $0x1  }
0x16: {  	s23 =	simm.s32 $0x0;
	s1 =	sadd.s32 s3, s1  }
0x17: {  	[tilespmem:s23], [sflag:$0x2] =	stream.linear.gather [hbm4b:s1+s23], $0x190, $0x38;
	[tilespmem:$0x12810] =	vst v63  }
0x18: {  	_ =	swait.ge [sflag:s12], $0x190  }
0x19: {  	[sflag:s12] =	ssyncset.done $0x0  }
0x1a: {  	[sflag:s12] =	ssyncadd.s32 $0xFFFFFE70  }
0x1b: {  	[tilespmem:s14], [sflag:$0x1] =	stream.indirect.gather [hbm4b:s4+s13], $0x40, s23, s13, $0xb8;
	[tilespmem:$0x12810] =	vst v63  }
0x1c: {  	_ = 	snop  }
0x1d: {  	[tilespmem:s15], [sflag:$0x1] =	stream.indirect.gather [hbm4b:s4+s13], $0x40, s13, s13, $0xb8;
	[tilespmem:$0x12810] =	vst v63  }
0x1e: {  	_ = 	snop  }
0x1f: {  	[tilespmem:s17], [sflag:$0x1] =	stream.indirect.gather [hbm4b:s4+s13], $0x40, s16, s13, $0xb8;
	[tilespmem:$0x12810] =	vst v63  }
0x20: {  	_ = 	snop  }
0x21: {  	[tilespmem:s19], [sflag:$0x1] =	stream.indirect.gather [hbm4b:s4+s13], $0x40, s18, s13, $0xb8;
	[tilespmem:$0x12810] =	vst v63  }
0x22: {  	_ = 	snop  }
0x23: {  	[tilespmem:s21], [sflag:$0x1] =	stream.indirect.gather [hbm4b:s4+s13], $0x40, s20, s13, $0xb8;
	[tilespmem:$0x12810] =	vst v63  }
0x24: {  	_ =	swait.ge [sflag:s22], $0x1400  }
0x25: {  	[sflag:s22] =	ssyncset.done $0x0  }
0x26: {  	[sflag:s22] =	ssyncadd.s32 $0xFFFFEC00  }
0x27: {  	_ =	swait.ge [sflag:s22], $0x1400  }
0x28: {  	[sflag:s22] =	ssyncset.done $0x0  }
0x29: {  	[sflag:s22] =	ssyncadd.s32 $0xFFFFEC00  }
0x2a: {  	_ =	swait.ge [sflag:s22], $0x1400  }
0x2b: {  	[sflag:s22] =	ssyncset.done $0x0  }
0x2c: {  	[sflag:s22] =	ssyncadd.s32 $0xFFFFEC00  }
0x2d: {  	_ =	swait.ge [sflag:s22], $0x1400  }
0x2e: {  	[sflag:s22] =	ssyncset.done $0x0  }
0x2f: {  	[sflag:s22] =	ssyncadd.s32 $0xFFFFEC00  }
0x30: {  	_ =	swait.ge [sflag:s22], $0x1400  }
0x31: {  	[sflag:s22] =	ssyncset.done $0x0  }
0x32: {  	s30 =	simm.s32 $0x0;
	[sflag:s22] =	ssyncadd.s32 $0xFFFFEC00  }
0x33: {  	v1 =	vld [tilespmem:s30+$0x1C0]  }
0x34: {  	v2 =	vld [tilespmem:s30+$0x190]  }
0x35: {  	v0 =	vimm.f32 $0.0e+00;
	v3 =	vld [tilespmem:s30+$0x1A0]  }
0x36: {  	v7 =	vimm.f32 $0.0e+00;
	v6 =	vimm.f32 $0.0e+00;
	v5 =	vimm.f32 $0.0e+00;
	s1 =	simm.s32 $0x100;
	v4 =	vld [tilespmem:s30+$0x1B0]  }
.LBB2_3:
0x37: {  	p0 =	sne.s32 s1, $0xC700  }
.Ltmp0:
0x38: {  	s23 =	sshra.s32 s1, $0x2;
	s1 =	sadd.s32 $0x100, s1;
	v0 =	vadd.f32 v1, v0;
	(pc) =	sbr.rel @p0 .LBB2_3-.Ltmp0, $4  }
0x39: {  	v1 =	vld [tilespmem:s23+$0x1C0];
	v7 =	vadd.f32 v2, v7  }
0x3a: {  	v2 =	vld [tilespmem:s23+$0x190];
	v6 =	vadd.f32 v3, v6  }
0x3b: {  	v3 =	vld [tilespmem:s23+$0x1A0];
	v5 =	vadd.f32 v4, v5  }
0x3c: {  	v4 =	vld [tilespmem:s23+$0x1B0]  }
0x3d: {  	_ = 	snop  }
0x3e: {  	s1 =	sshll.u32 s0, $0x7;
	v0 =	vadd.f32 v1, v0  }
0x3f: {  	s1 =	sand.u32 $0x3FFFFF80, s1;
	v2 =	vadd.f32 v2, v7  }
0x40: {  	v3 =	vadd.f32 v3, v6;
	[tilespmem:s1+$0x65C0] =	vst v0  }
0x41: {  	v4 =	vadd.f32 v4, v5;
	[tilespmem:s1+$0x6590] =	vst v2  }
0x42: {  	[tilespmem:s1+$0x65A0] =	vst v3  }
0x43: {  	s30 =	simm.s32 $0x0;
	[tilespmem:s1+$0x65B0] =	vst v4  }
0x44: {  	v1 =	vld [tilespmem:s30+$0x33C0]  }
0x45: {  	v2 =	vld [tilespmem:s30+$0x3390]  }
0x46: {  	v7 =	vimm.f32 $0.0e+00;
	v3 =	vld [tilespmem:s30+$0x33A0]  }
0x47: {  	s23 =	simm.s32 $0x100;
	v0 =	vimm.f32 $0.0e+00;
	v6 =	vimm.f32 $0.0e+00;
	v5 =	vimm.f32 $0.0e+00;
	v4 =	vld [tilespmem:s30+$0x33B0]  }
.LBB2_5:
0x48: {  	p0 =	sne.s32 s23, $0xC700  }
.Ltmp1:
0x49: {  	s30 =	sshra.s32 s23, $0x2;
	s23 =	sadd.s32 $0x100, s23;
	v0 =	vadd.f32 v1, v0;
	(pc) =	sbr.rel @p0 .LBB2_5-.Ltmp1, $4  }
0x4a: {  	v1 =	vld [tilespmem:s30+$0x33C0];
	v5 =	vadd.f32 v2, v5  }
0x4b: {  	v2 =	vld [tilespmem:s30+$0x3390];
	v6 =	vadd.f32 v3, v6  }
0x4c: {  	v3 =	vld [tilespmem:s30+$0x33A0];
	v7 =	vadd.f32 v4, v7  }
0x4d: {  	v4 =	vld [tilespmem:s30+$0x33B0]  }
0x4e: {  	s0 =	sadd.s32 $0x1, s0  }
0x4f: {  	v0 =	vadd.f32 v1, v0;
	p0 =	sne.s32 s0, $0x40  }
.Ltmp2:
0x50: {  	v2 =	vadd.f32 v2, v5;
	(pc) =	sbr.rel @p0 .LBB2_2-.Ltmp2, $4  }
0x51: {  	v3 =	vadd.f32 v3, v6;
	[tilespmem:s1+$0x6600] =	vst v0  }
0x52: {  	v4 =	vadd.f32 v4, v7;
	[tilespmem:s1+$0x65D0] =	vst v2  }
0x53: {  	[tilespmem:s1+$0x65E0] =	vst v3  }
0x54: {  	[tilespmem:s1+$0x65F0] =	vst v4  }
0x55: {  	s0 =	simm.s32 $0x6590  }
0x56: {  	[hbm4b:s6+s2] =	stream.linear.scatter [tilespmem:s0], [sflag:$0x2], $0x2000, $0x38;
	[tilespmem:$0x12810] =	vst v63  }
0x57: {  	_ =	swait.ge [sflag:s12], $0x2000  }
0x58: {  	[sflag:s12] =	ssyncset.done $0x0  }
0x59: {  	[sflag:s12] =	ssyncadd.s32 $0xFFFFE000  }
0x5a: {  	[tilespmem:s24], [sflag:$0x2] =	stream.linear.gather [hbm4b:s7+s2], $0x80, $0x38;
	[tilespmem:$0x12810] =	vst v63  }
0x5b: {  	_ =	swait.ge [sflag:s12], $0x80  }
0x5c: {  	[sflag:s12] =	ssyncset.done $0x0  }
0x5d: {  	[sflag:s12] =	ssyncadd.s32 $0xFFFFFF80  }
0x5e: {  	[tilespmem:s26], [sflag:$0x1] =	stream.indirect.gather [hbm4b:s4+s25], $0x40, s24, s25, $0xb8;
	[tilespmem:$0x12810] =	vst v63  }
0x5f: {  	_ =	swait.ge [sflag:s22], $0x2000  }
0x60: {  	[sflag:s22] =	ssyncset.done $0x0  }
0x61: {  	[sflag:s22] =	ssyncadd.s32 $0xFFFFE000  }
0x62: {  	[hbm4b:s8+s2] =	stream.linear.scatter [tilespmem:s26], [sflag:$0x2], $0x2000, $0x38;
	[tilespmem:$0x12810] =	vst v63  }
0x63: {  	_ =	swait.ge [sflag:s12], $0x2000  }
0x64: {  	[sflag:s12] =	ssyncset.done $0x0  }
0x65: {  	[sflag:s12] =	ssyncadd.s32 $0xFFFFE000  }
0x66: {  	[tilespmem:s28], [sflag:$0x2] =	stream.linear.gather [hbm4b:s9+s2], $0x200, $0x38;
	[tilespmem:$0x12810] =	vst v63  }
0x67: {  	_ =	swait.ge [sflag:s12], $0x200  }
0x68: {  	[sflag:s12] =	ssyncset.done $0x0  }
0x69: {  	[sflag:s12] =	ssyncadd.s32 $0xFFFFFE00  }
0x6a: {  	[tilespmem:s29], [sflag:$0x1] =	stream.indirect.gather [hbm4b:s4+s25], $0x40, s28, s25, $0xb8;
	[tilespmem:$0x12810] =	vst v63  }
0x6b: {  	s30 =	simm.s32 $0xA690;
	s1 =	simm.s32 $0xC810  }
0x6c: {  	[tilespmem:s1], [sflag:$0x1] =	stream.indirect.gather [hbm4b:s4+s25], $0x40, s30, s25, $0xb8;
	[tilespmem:$0x12810] =	vst v63  }
0x6d: {  	s23 =	simm.s32 $0xA710;
	s30 =	simm.s32 $0xE810  }
0x6e: {  	[tilespmem:s30], [sflag:$0x1] =	stream.indirect.gather [hbm4b:s4+s25], $0x40, s23, s25, $0xb8;
	[tilespmem:$0x12810] =	vst v63  }
0x6f: {  	s23 =	simm.s32 $0xA790;
	s30 =	simm.s32 $0x10810  }
0x70: {  	[tilespmem:s30], [sflag:$0x1] =	stream.indirect.gather [hbm4b:s4+s25], $0x40, s23, s25, $0xb8;
	[tilespmem:$0x12810] =	vst v63  }
0x71: {  	_ =	swait.ge [sflag:s22], $0x2000  }
0x72: {  	[sflag:s22] =	ssyncset.done $0x0  }
0x73: {  	[sflag:s22] =	ssyncadd.s32 $0xFFFFE000  }
0x74: {  	_ =	swait.ge [sflag:s22], $0x2000  }
0x75: {  	[sflag:s22] =	ssyncset.done $0x0  }
0x76: {  	[sflag:s22] =	ssyncadd.s32 $0xFFFFE000  }
0x77: {  	_ =	swait.ge [sflag:s22], $0x2000  }
0x78: {  	[sflag:s22] =	ssyncset.done $0x0  }
0x79: {  	[sflag:s22] =	ssyncadd.s32 $0xFFFFE000  }
0x7a: {  	s31 =	sadd.s32 $0x1, s31;
	_ =	swait.ge [sflag:s22], $0x2000  }
0x7b: {  	p0 =	sne.s32 s31, s11;
	[sflag:s22] =	ssyncset.done $0x0  }
.Ltmp3:
0x7c: {  	[sflag:s22] =	ssyncadd.s32 $0xFFFFE000;
	(pc) =	sbr.rel @p0 .LBB2_1-.Ltmp3, $4  }
0x7d: {  	[hbm4b:s10+s2] =	stream.linear.scatter [tilespmem:s29], [sflag:$0x2], $0x8000, $0x38;
	[tilespmem:$0x12810] =	vst v63  }
0x7e: {  	_ =	swait.ge [sflag:s12], $0x8000  }
0x7f: {  	[sflag:s12] =	ssyncset.done $0x0  }
0x80: {  	[sflag:s12] =	ssyncadd.s32 $0xFFFF8000  }
0x81: {  	_ =	sfence.sel $0x180000  }
0x82: {  	[bflag:$0x0] =	sbarrier.arrive $0xFFFF  }
0x83: {  	_ =	strace $0x90000047  }
0x84: {  	s0 =	stileid.u32;
	[bflag:$0x2] =	sbarrier.arrive $0xFFFF  }
0x85: {  	p0 =	sne.s32 s0, $0x0;
	s0 =	rddreg [dreg:$0x3]  }
0x86: {  	s0 =	sadd.s32 @!p0 $0x100000, s0  }
0x87: {  	[sflag:s0] =	ssyncadd.tile.s32 @!p0 $0x1;
	_ =	shalt  }
.Lfunc_end2:
_tile_overlayer_lowered:
.L_overlay_start_2:
0x88: {  	(tag) =	ssettag $0x2  }
0x89: {  	s0 =	rddreg [dreg:$0x0];
	s2 =	stileid.u32  }
0x8a: {  	s1 =	rddreg [dreg:$0x1];
	p0 =	sne.s32 s2, $0x0  }
0x8b: {  	s3 =	rddreg [dreg:$0x2];
	[bflag:$0x3] =	sbarrier.arrive $0xFFFF;
	s2 =	simm.s32 @!p0 $0x1C02  }
0x8c: {  	[timem:s3], [sflag:s2] =	dma.local @!p0 [hbm:s0], s1  }
0x8d: {  	s0 =	simm.s32 @!p0 $0x2  }
0x8e: {  	_ =	swait.ge @!p0 [sflag:s0], s1  }
0x8f: {  	s1 =	ssub.s32 @!p0 $0x0, s1;
	[sflag:s0] =	ssyncset.done @!p0 $0x0  }
0x90: {  	[sflag:s0] =	ssyncadd.s32 @!p0 s1  }
0x91: {  	[bflag:$0x3] =	sbarrier.arrive $0xFFFF  }
0x92: {  	_ =	shalt  }

</sc_bundles>
